<compile_context>
chip_gen: v7x
topology: tpu7x:2x2x1
jax: 0.10.2.dev20260603
libtpu: 0.0.44.dev20260713+nightly
codegen_flags: <defaults>
</compile_context>

<pallas_src>
import functools

import jax
import jax.numpy as jnp
from jax import lax
from jax.experimental import pallas as pl
from jax.experimental.pallas import tpu as pltpu, tpu_sc as plsc

_info = plsc.get_sparse_core_info()
_NC, _NS, _L = _info.num_cores, _info.num_subcores, _info.num_lanes
_NW = _NC * _NS

_PADY = 2
_PADX = 8


@functools.partial(jax.jit, static_argnums=(2, 3, 4, 5))
def _warp_sc(x1d, u1d, B, T, M, N):
    ROWS = B * T * M
    RPW = ROWS // _NW
    CH = 16
    NCHUNK = RPW // CH
    VPC = CH * N // _L
    STRIDE = N + _PADX
    PROWS = M + _PADY + 4
    PPIX = -(-(PROWS * STRIDE) // (4 * _L)) * (4 * _L)
    PIX = M * N
    QTR = PIX // 4

    assert ROWS % _NW == 0 and RPW % CH == 0 and (T * M) % RPW == 0
    assert NCHUNK % 2 == 0 and N == 256 and M == 256

    mesh = plsc.VectorSubcoreMesh(core_axis_name="c", subcore_axis_name="s")

    CLO, CHI = -2, N + 1
    BASE = _PADY * STRIDE + _PADX

    @functools.partial(
        pl.kernel,
        out_type=jax.ShapeDtypeStruct((ROWS * N,), jnp.float32),
        mesh=mesh,
        scratch_types=[
            pltpu.VMEM((PPIX,), jnp.float32),
            pltpu.VMEM((QTR,), jnp.float32),
            pltpu.VMEM((CH * N * 2,), jnp.float32),
            pltpu.VMEM((CH * N * 2,), jnp.float32),
            pltpu.VMEM((CH * N,), jnp.float32),
            pltpu.VMEM((CH * N,), jnp.float32),
            pltpu.SemaphoreType.DMA,
            pltpu.SemaphoreType.DMA,
            pltpu.SemaphoreType.DMA,
            pltpu.SemaphoreType.DMA,
        ],
        compiler_params=pltpu.CompilerParams(needs_layout_passes=False),
    )
    def body(x_hbm, u_hbm, out_hbm, img, raw, fl0, fl1, ob0, ob1,
             si0, si1, so0, so1):
        wid = lax.axis_index("s") * _NC + lax.axis_index("c")
        s0 = wid * RPW
        bidx = s0 // (T * M)

        zero16 = jnp.zeros((_L,), jnp.float32)
        lane = lax.iota(jnp.int32, _L)
        lanef = lane.astype(jnp.float32)
        lanefs = [lanef + float(s * _L) for s in range(4)]

        def zero_body(t, _):
            for s in range(4):
                img[pl.ds(t * 4 * _L + s * _L, _L)] = zero16
            return 0
        lax.fori_loop(0, PPIX // (4 * _L), zero_body, 0)

        def qtr_body(q, _):
            pltpu.sync_copy(x_hbm.at[pl.ds(bidx * PIX + q * QTR, QTR)], raw)

            def detile_body(g, _):
                t = g * 4
                iblk = q * 8 + (t >> 7)
                r = t & 127
                jblk = r >> 6
                i8 = (r >> 3) & 7
                k = r & 7
                dst = (iblk * 8 + i8 + _PADY) * STRIDE + _PADX \
                    + jblk * 128 + k * _L
                for s in range(4):
                    img[pl.ds(dst + s * _L, _L)] = raw[pl.ds(t * _L + s * _L, _L)]
                return 0
            lax.fori_loop(0, QTR // (4 * _L), detile_body, 0)
            return 0
        lax.fori_loop(0, 4, qtr_body, 0)

        flbufs = (fl0, fl1)
        obufs = (ob0, ob1)
        isems = (si0, si1)
        osems = (so0, so1)

        def start_in(c, buf, sem):
            pltpu.async_copy(
                u_hbm.at[pl.ds((s0 + c * CH) * N * 2, CH * N * 2)], buf, sem)

        start_in(0, fl0, si0)

        def pair_body(kp, _):
            k0 = kp * 2
            for ph in range(2):
                k = k0 + ph
                flow, outb = flbufs[ph], obufs[ph]
                isem, osem = isems[ph], osems[ph]
                srow = s0 + k * CH
                nxt = k + 1

                @pl.when(nxt < NCHUNK)
                def _():
                    start_in(nxt, flbufs[1 - ph], isems[1 - ph])

                pltpu.make_async_copy(
                    u_hbm.at[pl.ds(srow * N * 2, CH * N * 2)], flow, isem
                ).wait()

                @pl.when(k >= 2)
                def _():
                    pltpu.make_async_copy(
                        outb, out_hbm.at[pl.ds(srow * N, CH * N)], osem
                    ).wait()

                i0 = srow % M

                def vec_body(g, _):
                    v = g * 4
                    roff = v >> 4
                    vj0 = v & 15
                    fo = roff * 512 + (vj0 >> 3) * 256 + (vj0 & 7) * _L
                    opos = (roff >> 3) * 2048 + (vj0 >> 3) * 1024 \
                        + (roff & 7) * 128 + (vj0 & 7) * _L
                    jb = jnp.full((_L,), (vj0 * _L).astype(jnp.float32))
                    i_f = jnp.full((_L,), (i0 + roff).astype(jnp.float32))

                    R = range(4)
                    ux = [flow[pl.ds(fo + s * _L, _L)] for s in R]
                    uy = [flow[pl.ds(fo + s * _L + 128, _L)] for s in R]
                    col = [lanefs[s] + jb for s in R]
                    fx = [ux[s] + col[s] for s in R]
                    fy = [uy[s] + i_f for s in R]
                    xt = [fx[s].astype(jnp.int32) for s in R]
                    yt = [fy[s].astype(jnp.int32) for s in R]
                    x0 = [jnp.where(fx[s] < 0.0, xt[s] - 1, xt[s])
                          for s in R]
                    y0 = [jnp.where(fy[s] < 0.0, yt[s] - 1, yt[s])
                          for s in R]
                    wx = [fx[s] - x0[s].astype(jnp.float32) for s in R]
                    wy = [fy[s] - y0[s].astype(jnp.float32) for s in R]
                    xc = [jnp.minimum(jnp.maximum(x0[s], CLO), CHI)
                          for s in R]
                    yc = [jnp.minimum(jnp.maximum(y0[s], CLO), CHI)
                          for s in R]
                    l00 = [yc[s] * STRIDE + (xc[s] + BASE) for s in R]
                    l10 = [l00[s] + STRIDE for s in R]
                    v00 = [plsc.load_gather(img, [l00[s]]) for s in R]
                    v01 = [plsc.load_gather(img, [l00[s] + 1]) for s in R]
                    v10 = [plsc.load_gather(img, [l10[s]]) for s in R]
                    v11 = [plsc.load_gather(img, [l10[s] + 1]) for s in R]
                    for s in R:
                        top = v00[s] + wx[s] * (v01[s] - v00[s])
                        bot = v10[s] + wx[s] * (v11[s] - v10[s])
                        res = top + wy[s] * (bot - top)
                        outb[pl.ds(opos + s * _L, _L)] = res
                    return 0

                lax.fori_loop(0, VPC // 4, vec_body, 0)
                pltpu.async_copy(outb, out_hbm.at[pl.ds(srow * N, CH * N)],
                                 osem)
            return 0

        lax.fori_loop(0, NCHUNK // 2, pair_body, 0)

        for ph in range(2):
            srow_last = s0 + (NCHUNK - 2 + ph) * CH
            pltpu.make_async_copy(
                obufs[ph], out_hbm.at[pl.ds(srow_last * N, CH * N)], osems[ph]
            ).wait()

    return body(x1d, u1d)


def kernel(x, u):
    B, T, M, N, _ = u.shape
    x1d = (x.reshape(B, M // 8, 8, N // 128, 128)
            .transpose(0, 1, 3, 2, 4).reshape(-1))
    u1d = (u.reshape(B, T, M, N // 128, 128, 2)
            .transpose(0, 1, 2, 3, 5, 4).reshape(-1))
    out = _warp_sc(x1d, u1d, B, T, M, N)
    return (out.reshape(B, T, M // 8, N // 128, 8, 128)
              .transpose(0, 1, 2, 4, 3, 5).reshape(B, T, M, N))

# --- scband reference (transcript-rebuilt; emitter-appended) ---
"""Pipeline reference for scband-warp-forward-31069793419522 (READ-ONLY COPY).

The authoritative reference and input builder live on the scoring server;
editing this copy changes nothing except your own understanding.
"""

import jax, jax.numpy as jnp
import numpy as np


def _bilinear_warp(img, flow):
    # img: [M, N], flow: [M, N, 2] with channels (u_x, u_y) in pixels.
    # Bilinear interpolation at (grid + flow); out-of-bounds samples contribute zero
    # (matches optox/optotf Warp with channel_last=False semantics per 2D slice).
    M, N = img.shape
    gy, gx = jnp.meshgrid(jnp.arange(M, dtype=flow.dtype), jnp.arange(N, dtype=flow.dtype), indexing='ij')
    fx = gx + flow[..., 0]
    fy = gy + flow[..., 1]
    x0 = jnp.floor(fx)
    y0 = jnp.floor(fy)
    x1 = x0 + 1.0
    y1 = y0 + 1.0
    wx = fx - x0
    wy = fy - y0

    def gather(yy, xx):
        inb = (xx >= 0) & (xx <= N - 1) & (yy >= 0) & (yy <= M - 1)
        xi = jnp.clip(xx, 0, N - 1).astype(jnp.int32)
        yi = jnp.clip(yy, 0, M - 1).astype(jnp.int32)
        return img[yi, xi] * inb.astype(img.dtype)

    v00 = gather(y0, x0)
    v01 = gather(y0, x1)
    v10 = gather(y1, x0)
    v11 = gather(y1, x1)
    return (v00 * (1.0 - wx) * (1.0 - wy)
            + v01 * wx * (1.0 - wy)
            + v10 * (1.0 - wx) * wy
            + v11 * wx * wy)


def setup_inputs(seed: int = 0) -> dict:
    key = jax.random.key(seed)
    k1, k2 = jax.random.split(key)
    x = jax.random.normal(k1, (8, 256, 256), dtype=jnp.float32)
    u = jax.random.normal(k2, (8, 25, 256, 256, 2), dtype=jnp.float32)
    return {"x": x, "u": u}


def reference(x, u):
    # Faithful translation of WarpForward.call:
    #   out_shape = u.shape[:-1]; M, N = u.shape[-3:-1]
    #   x -> expand at -3, repeat T = u.shape[-4], flatten to (-1, M, N)
    #   u -> flatten to (-1, M, N, 2); warp each slice; reshape to out_shape
    out_shape = u.shape[:-1]
    M = u.shape[-3]
    N = u.shape[-2]
    T = u.shape[-4]
    xr = jnp.repeat(jnp.expand_dims(x, -3), T, axis=-3)
    xr = xr.reshape(-1, M, N)
    ur = u.reshape(-1, M, N, 2)
    Wx = jax.vmap(_bilinear_warp)(xr, ur)
    return Wx.reshape(out_shape)

if __name__ == "__main__":
    import jax
    _d = setup_inputs()
    print(jax.jit(kernel)(*tuple(_d.values())))

</pallas_src>

<mosaic_0001>
#map = affine_map<(d0, d1) -> (0)>
module attributes {stable_mosaic.version = 14 : i64} {
  func.func @body(%arg0: i32, %arg1: i32, %arg2: memref<524288xf32, #tpu.memory_space<hbm>>, %arg3: memref<26214400xf32, #tpu.memory_space<hbm>>, %arg4: memref<13107200xf32, #tpu.memory_space<hbm>>, %arg5: memref<69184xf32, #tpu.memory_space<vmem>>, %arg6: memref<16384xf32, #tpu.memory_space<vmem>>, %arg7: memref<8192xf32, #tpu.memory_space<vmem>>, %arg8: memref<8192xf32, #tpu.memory_space<vmem>>, %arg9: memref<4096xf32, #tpu.memory_space<vmem>>, %arg10: memref<4096xf32, #tpu.memory_space<vmem>>, %arg11: memref<!tpu.dma_semaphore, #tpu.memory_space<semaphore_mem>>, %arg12: memref<!tpu.dma_semaphore, #tpu.memory_space<semaphore_mem>>, %arg13: memref<!tpu.dma_semaphore, #tpu.memory_space<semaphore_mem>>, %arg14: memref<!tpu.dma_semaphore, #tpu.memory_space<semaphore_mem>>) attributes {dimension_semantics = [#tpu.dimension_semantics<core_parallel>, #tpu.dimension_semantics<subcore_parallel>], iteration_bounds = array<i64: 2, 16>, scalar_prefetch = 0 : i64, scratch_operands = 10 : i64, tpu.core_type = #tpu.core_type<sc_vector_subcore>, window_params = [{transform_indices = #map}, {transform_indices = #map}, {transform_indices = #map}]} {
    %mul3A = arith.constant 2 : i32
    %mul3A_0 = arith.muli %arg1, %mul3A : i32
    %add3A = arith.addi %mul3A_0, %arg0 : i32
    %mul3A_1 = arith.constant 1600 : i32
    %mul3A_2 = arith.muli %add3A, %mul3A_1 : i32
    %jit3A = arith.constant 6400 : i32
    %div3A = arith.divsi %mul3A_2, %jit3A : i32
    %sign3A = arith.constant 0 : i32
    %sign3A_3 = arith.cmpi sgt, %mul3A_2, %sign3A : i32
    %sign3A_4 = arith.extui %sign3A_3 : i1 to i32
    %sign3A_5 = arith.constant 0 : i32
    %sign3A_6 = arith.cmpi slt, %mul3A_2, %sign3A_5 : i32
    %sign3A_7 = arith.extui %sign3A_6 : i1 to i32
    %sign3A_8 = arith.subi %sign3A_4, %sign3A_7 : i32
    %sign3A_9 = arith.constant 0 : i32
    %sign3A_10 = arith.cmpi sgt, %jit3A, %sign3A_9 : i32
    %sign3A_11 = arith.extui %sign3A_10 : i1 to i32
    %sign3A_12 = arith.constant 0 : i32
    %sign3A_13 = arith.cmpi slt, %jit3A, %sign3A_12 : i32
    %sign3A_14 = arith.extui %sign3A_13 : i1 to i32
    %sign3A_15 = arith.subi %sign3A_11, %sign3A_14 : i32
    %ne3A = arith.cmpi ne, %sign3A_8, %sign3A_15 : i32
    %rem3A = arith.remsi %mul3A_2, %jit3A : i32
    %ne3A_16 = arith.constant 0 : i32
    %ne3A_17 = arith.cmpi ne, %rem3A, %ne3A_16 : i32
    %and3A = arith.andi %ne3A, %ne3A_17 : i1
    %sub3A = arith.constant 1 : i32
    %sub3A_18 = arith.subi %div3A, %sub3A : i32
    %select_n3A = arith.select %and3A, %sub3A_18, %div3A : i32
    %broadcast_in_dim3A = arith.constant 0.000000e+00 : f32
    %broadcast_in_dim3A_19 = vector.broadcast %broadcast_in_dim3A : f32 to vector<16xf32>
    %iota3A = tpu.iota {dimensions = array<i32: 0>} : vector<16xi32>
    %convert_element_type3A = arith.sitofp %iota3A : vector<16xi32> to vector<16xf32>
    %add3A_20 = arith.constant 0.000000e+00 : f32
    %add3A_21 = vector.broadcast %add3A_20 : f32 to vector<16xf32>
    %add3A_22 = arith.addf %convert_element_type3A, %add3A_21 : vector<16xf32>
    %add3A_23 = arith.constant 1.600000e+01 : f32
    %add3A_24 = vector.broadcast %add3A_23 : f32 to vector<16xf32>
    %add3A_25 = arith.addf %convert_element_type3A, %add3A_24 : vector<16xf32>
    %add3A_26 = arith.constant 3.200000e+01 : f32
    %add3A_27 = vector.broadcast %add3A_26 : f32 to vector<16xf32>
    %add3A_28 = arith.addf %convert_element_type3A, %add3A_27 : vector<16xf32>
    %add3A_29 = arith.constant 4.800000e+01 : f32
    %add3A_30 = vector.broadcast %add3A_29 : f32 to vector<16xf32>
    %add3A_31 = arith.addf %convert_element_type3A, %add3A_30 : vector<16xf32>
    %scan3A = arith.constant 0 : i32
    %scan3A_32 = arith.constant 0 : i32
    %scan3A_33 = arith.constant 1081 : i32
    %scan3A_34 = arith.addi %scan3A_32, %scan3A_33 : i32
    %scan3A_35 = arith.constant 1 : i32
    %scan3A_36 = scf.for %scan3A_70 = %scan3A_32 to %scan3A_34 step %scan3A_35 iter_args(%scan3A_71 = %scan3A) -> (i32)  : i32 {
      %mul3A_72 = arith.constant 4 : i32
      %mul3A_73 = arith.muli %scan3A_70, %mul3A_72 : i32
      %mul3A_74 = arith.constant 16 : i32
      %mul3A_75 = arith.muli %mul3A_73, %mul3A_74 : i32
      %add3A_76 = arith.constant 0 : i32
      %add3A_77 = arith.addi %mul3A_75, %add3A_76 : i32
      %swap3A = arith.index_cast %add3A_77 : i32 to index
      %swap3A_78 = tpu.vector_load %arg5[%swap3A] {strides = array<i32>} : memref<69184xf32, #tpu.memory_space<vmem>>, vector<16xf32>,
      tpu.vector_store %arg5[%swap3A], %broadcast_in_dim3A_19 {strides = array<i32>} : memref<69184xf32, #tpu.memory_space<vmem>>, vector<16xf32>,
      %mul3A_79 = arith.constant 4 : i32
      %mul3A_80 = arith.muli %scan3A_70, %mul3A_79 : i32
      %mul3A_81 = arith.constant 16 : i32
      %mul3A_82 = arith.muli %mul3A_80, %mul3A_81 : i32
      %add3A_83 = arith.constant 16 : i32
      %add3A_84 = arith.addi %mul3A_82, %add3A_83 : i32
      %swap3A_85 = arith.index_cast %add3A_84 : i32 to index
      %swap3A_86 = tpu.vector_load %arg5[%swap3A_85] {strides = array<i32>} : memref<69184xf32, #tpu.memory_space<vmem>>, vector<16xf32>,
      tpu.vector_store %arg5[%swap3A_85], %broadcast_in_dim3A_19 {strides = array<i32>} : memref<69184xf32, #tpu.memory_space<vmem>>, vector<16xf32>,
      %mul3A_87 = arith.constant 4 : i32
      %mul3A_88 = arith.muli %scan3A_70, %mul3A_87 : i32
      %mul3A_89 = arith.constant 16 : i32
      %mul3A_90 = arith.muli %mul3A_88, %mul3A_89 : i32
      %add3A_91 = arith.constant 32 : i32
      %add3A_92 = arith.addi %mul3A_90, %add3A_91 : i32
      %swap3A_93 = arith.index_cast %add3A_92 : i32 to index
      %swap3A_94 = tpu.vector_load %arg5[%swap3A_93] {strides = array<i32>} : memref<69184xf32, #tpu.memory_space<vmem>>, vector<16xf32>,
      tpu.vector_store %arg5[%swap3A_93], %broadcast_in_dim3A_19 {strides = array<i32>} : memref<69184xf32, #tpu.memory_space<vmem>>, vector<16xf32>,
      %mul3A_95 = arith.constant 4 : i32
      %mul3A_96 = arith.muli %scan3A_70, %mul3A_95 : i32
      %mul3A_97 = arith.constant 16 : i32
      %mul3A_98 = arith.muli %mul3A_96, %mul3A_97 : i32
      %add3A_99 = arith.constant 48 : i32
      %add3A_100 = arith.addi %mul3A_98, %add3A_99 : i32
      %swap3A_101 = arith.index_cast %add3A_100 : i32 to index
      %swap3A_102 = tpu.vector_load %arg5[%swap3A_101] {strides = array<i32>} : memref<69184xf32, #tpu.memory_space<vmem>>, vector<16xf32>,
      tpu.vector_store %arg5[%swap3A_101], %broadcast_in_dim3A_19 {strides = array<i32>} : memref<69184xf32, #tpu.memory_space<vmem>>, vector<16xf32>,
      %scan3A_103 = arith.constant 0 : i32
      scf.yield %scan3A_103 : i32
    }
    %scan3A_37 = arith.constant 1081 : i32
    %scan3A_38 = arith.constant 0 : i32
    %scan3A_39 = arith.constant 0 : i32
    %scan3A_40 = arith.constant 4 : i32
    %scan3A_41 = arith.addi %scan3A_39, %scan3A_40 : i32
    %scan3A_42 = arith.constant 1 : i32
    %scan3A_43 = scf.for %scan3A_70 = %scan3A_39 to %scan3A_41 step %scan3A_42 iter_args(%scan3A_71 = %scan3A_38) -> (i32)  : i32 {
      %mul3A_72 = arith.constant 65536 : i32
      %mul3A_73 = arith.muli %select_n3A, %mul3A_72 : i32
      %mul3A_74 = arith.constant 16384 : i32
      %mul3A_75 = arith.muli %scan3A_70, %mul3A_74 : i32
      %add3A_76 = arith.addi %mul3A_73, %mul3A_75 : i32
      "tpu.region"() ({
        %run_scoped3A = tpu.sem_alloc : memref<!tpu.dma_semaphore, #tpu.memory_space<semaphore_mem>>
        %dma_start3A_85 = tpu.memref_slice %arg2[%add3A_76] : memref<524288xf32, #tpu.memory_space<hbm>> -> memref<16384xf32, #tpu.memory_space<hbm>>
        %dma_start3A_86 = tpu.memref_slice %arg2[%add3A_76] : memref<524288xf32, #tpu.memory_space<hbm>> -> memref<16384xf32, #tpu.memory_space<hbm>>
        tpu.enqueue_dma source(%dma_start3A_86 : memref<16384xf32, #tpu.memory_space<hbm>>) target(%arg6 : memref<16384xf32, #tpu.memory_space<vmem>>) target_semaphore(%run_scoped3A : memref<!tpu.dma_semaphore, #tpu.memory_space<semaphore_mem>>)
        %dma_wait3A_87 = tpu.memref_slice %arg2[%add3A_76] : memref<524288xf32, #tpu.memory_space<hbm>> -> memref<16384xf32, #tpu.memory_space<hbm>>
        %dma_wait3A_88 = tpu.memref_slice %arg2[%add3A_76] : memref<524288xf32, #tpu.memory_space<hbm>> -> memref<16384xf32, #tpu.memory_space<hbm>>
        tpu.wait_dma2 semaphore(%run_scoped3A : memref<!tpu.dma_semaphore, #tpu.memory_space<semaphore_mem>>) src(%dma_wait3A_88 : memref<16384xf32, #tpu.memory_space<hbm>>) dst(%arg6 : memref<16384xf32, #tpu.memory_space<vmem>>)
        tpu.yield
      }) : () -> ()
      %scan3A_77 = arith.constant 0 : i32
      %scan3A_78 = arith.constant 0 : i32
      %scan3A_79 = arith.constant 256 : i32
      %scan3A_80 = arith.addi %scan3A_78, %scan3A_79 : i32
      %scan3A_81 = arith.constant 1 : i32
      %scan3A_82 = scf.for %scan3A_85 = %scan3A_78 to %scan3A_80 step %scan3A_81 iter_args(%scan3A_86 = %scan3A_77) -> (i32)  : i32 {
        %mul3A_87 = arith.constant 4 : i32
        %mul3A_88 = arith.muli %scan3A_85, %mul3A_87 : i32
        %mul3A_89 = arith.constant 8 : i32
        %mul3A_90 = arith.muli %scan3A_70, %mul3A_89 : i32
        %shift_right_arithmetic3A = arith.constant 7 : i32
        %shift_right_arithmetic3A_91 = arith.shrsi %mul3A_88, %shift_right_arithmetic3A : i32
        %add3A_92 = arith.addi %mul3A_90, %shift_right_arithmetic3A_91 : i32
        %and3A_93 = arith.constant 127 : i32
        %and3A_94 = arith.andi %mul3A_88, %and3A_93 : i32
        %shift_right_arithmetic3A_95 = arith.constant 6 : i32
        %shift_right_arithmetic3A_96 = arith.shrsi %and3A_94, %shift_right_arithmetic3A_95 : i32
        %shift_right_arithmetic3A_97 = arith.constant 3 : i32
        %shift_right_arithmetic3A_98 = arith.shrsi %and3A_94, %shift_right_arithmetic3A_97 : i32
        %and3A_99 = arith.constant 7 : i32
        %and3A_100 = arith.andi %shift_right_arithmetic3A_98, %and3A_99 : i32
        %and3A_101 = arith.constant 7 : i32
        %and3A_102 = arith.andi %and3A_94, %and3A_101 : i32
        %mul3A_103 = arith.constant 8 : i32
        %mul3A_104 = arith.muli %add3A_92, %mul3A_103 : i32
        %add3A_105 = arith.addi %mul3A_104, %and3A_100 : i32
        %add3A_106 = arith.constant 2 : i32
        %add3A_107 = arith.addi %add3A_105, %add3A_106 : i32
        %mul3A_108 = arith.constant 264 : i32
        %mul3A_109 = arith.muli %add3A_107, %mul3A_108 : i32
        %add3A_110 = arith.constant 8 : i32
        %add3A_111 = arith.addi %mul3A_109, %add3A_110 : i32
        %mul3A_112 = arith.constant 128 : i32
        %mul3A_113 = arith.muli %shift_right_arithmetic3A_96, %mul3A_112 : i32
        %add3A_114 = arith.addi %add3A_111, %mul3A_113 : i32
        %mul3A_115 = arith.constant 16 : i32
        %mul3A_116 = arith.muli %and3A_102, %mul3A_115 : i32
        %add3A_117 = arith.addi %add3A_114, %mul3A_116 : i32
        %mul3A_118 = arith.constant 16 : i32
        %mul3A_119 = arith.muli %mul3A_88, %mul3A_118 : i32
        %add3A_120 = arith.constant 0 : i32
        %add3A_121 = arith.addi %mul3A_119, %add3A_120 : i32
        %get3A = arith.index_cast %add3A_121 : i32 to index
        %get3A_122 = tpu.vector_load %arg6[%get3A] {strides = array<i32>} : memref<16384xf32, #tpu.memory_space<vmem>>, vector<16xf32>,
        %add3A_123 = arith.constant 0 : i32
        %add3A_124 = arith.addi %add3A_117, %add3A_123 : i32
        %swap3A = arith.index_cast %add3A_124 : i32 to index
        %swap3A_125 = tpu.vector_load %arg5[%swap3A] {strides = array<i32>} : memref<69184xf32, #tpu.memory_space<vmem>>, vector<16xf32>,
        tpu.vector_store %arg5[%swap3A], %get3A_122 {strides = array<i32>} : memref<69184xf32, #tpu.memory_space<vmem>>, vector<16xf32>,
        %mul3A_126 = arith.constant 16 : i32
        %mul3A_127 = arith.muli %mul3A_88, %mul3A_126 : i32
        %add3A_128 = arith.constant 16 : i32
        %add3A_129 = arith.addi %mul3A_127, %add3A_128 : i32
        %get3A_130 = arith.index_cast %add3A_129 : i32 to index
        %get3A_131 = tpu.vector_load %arg6[%get3A_130] {strides = array<i32>} : memref<16384xf32, #tpu.memory_space<vmem>>, vector<16xf32>,
        %add3A_132 = arith.constant 16 : i32
        %add3A_133 = arith.addi %add3A_117, %add3A_132 : i32
        %swap3A_134 = arith.index_cast %add3A_133 : i32 to index
        %swap3A_135 = tpu.vector_load %arg5[%swap3A_134] {strides = array<i32>} : memref<69184xf32, #tpu.memory_space<vmem>>, vector<16xf32>,
        tpu.vector_store %arg5[%swap3A_134], %get3A_131 {strides = array<i32>} : memref<69184xf32, #tpu.memory_space<vmem>>, vector<16xf32>,
        %mul3A_136 = arith.constant 16 : i32
        %mul3A_137 = arith.muli %mul3A_88, %mul3A_136 : i32
        %add3A_138 = arith.constant 32 : i32
        %add3A_139 = arith.addi %mul3A_137, %add3A_138 : i32
        %get3A_140 = arith.index_cast %add3A_139 : i32 to index
        %get3A_141 = tpu.vector_load %arg6[%get3A_140] {strides = array<i32>} : memref<16384xf32, #tpu.memory_space<vmem>>, vector<16xf32>,
        %add3A_142 = arith.constant 32 : i32
        %add3A_143 = arith.addi %add3A_117, %add3A_142 : i32
        %swap3A_144 = arith.index_cast %add3A_143 : i32 to index
        %swap3A_145 = tpu.vector_load %arg5[%swap3A_144] {strides = array<i32>} : memref<69184xf32, #tpu.memory_space<vmem>>, vector<16xf32>,
        tpu.vector_store %arg5[%swap3A_144], %get3A_141 {strides = array<i32>} : memref<69184xf32, #tpu.memory_space<vmem>>, vector<16xf32>,
        %mul3A_146 = arith.constant 16 : i32
        %mul3A_147 = arith.muli %mul3A_88, %mul3A_146 : i32
        %add3A_148 = arith.constant 48 : i32
        %add3A_149 = arith.addi %mul3A_147, %add3A_148 : i32
        %get3A_150 = arith.index_cast %add3A_149 : i32 to index
        %get3A_151 = tpu.vector_load %arg6[%get3A_150] {strides = array<i32>} : memref<16384xf32, #tpu.memory_space<vmem>>, vector<16xf32>,
        %add3A_152 = arith.constant 48 : i32
        %add3A_153 = arith.addi %add3A_117, %add3A_152 : i32
        %swap3A_154 = arith.index_cast %add3A_153 : i32 to index
        %swap3A_155 = tpu.vector_load %arg5[%swap3A_154] {strides = array<i32>} : memref<69184xf32, #tpu.memory_space<vmem>>, vector<16xf32>,
        tpu.vector_store %arg5[%swap3A_154], %get3A_151 {strides = array<i32>} : memref<69184xf32, #tpu.memory_space<vmem>>, vector<16xf32>,
        %scan3A_156 = arith.constant 0 : i32
        scf.yield %scan3A_156 : i32
      }
      %scan3A_83 = arith.constant 256 : i32
      %scan3A_84 = arith.constant 0 : i32
      scf.yield %scan3A_84 : i32
    }
    %scan3A_44 = arith.constant 4 : i32
    %add3A_45 = arith.constant 0 : i32
    %add3A_46 = arith.addi %mul3A_2, %add3A_45 : i32
    %mul3A_47 = arith.constant 256 : i32
    %mul3A_48 = arith.muli %add3A_46, %mul3A_47 : i32
    %mul3A_49 = arith.constant 2 : i32
    %mul3A_50 = arith.muli %mul3A_48, %mul3A_49 : i32
    %dma_start3A = tpu.memref_slice %arg3[%mul3A_50] : memref<26214400xf32, #tpu.memory_space<hbm>> -> memref<8192xf32, #tpu.memory_space<hbm>>
    %dma_start3A_51 = tpu.memref_slice %arg3[%mul3A_50] : memref<26214400xf32, #tpu.memory_space<hbm>> -> memref<8192xf32, #tpu.memory_space<hbm>>
    tpu.enqueue_dma source(%dma_start3A_51 : memref<8192xf32, #tpu.memory_space<hbm>>) target(%arg7 : memref<8192xf32, #tpu.memory_space<vmem>>) target_semaphore(%arg11 : memref<!tpu.dma_semaphore, #tpu.memory_space<semaphore_mem>>)
    %scan3A_52 = arith.constant 0 : i32
    %scan3A_53 = arith.constant 0 : i32
    %scan3A_54 = arith.constant 50 : i32
    %scan3A_55 = arith.addi %scan3A_53, %scan3A_54 : i32
    %scan3A_56 = arith.constant 1 : i32
    %scan3A_57 = scf.for %scan3A_70 = %scan3A_53 to %scan3A_55 step %scan3A_56 iter_args(%scan3A_71 = %scan3A_52) -> (i32)  : i32 {
      %mul3A_72 = arith.constant 2 : i32
      %mul3A_73 = arith.muli %scan3A_70, %mul3A_72 : i32
      %add3A_74 = arith.constant 0 : i32
      %add3A_75 = arith.addi %mul3A_73, %add3A_74 : i32
      %mul3A_76 = arith.constant 16 : i32
      %mul3A_77 = arith.muli %add3A_75, %mul3A_76 : i32
      %add3A_78 = arith.addi %mul3A_2, %mul3A_77 : i32
      %add3A_79 = arith.constant 1 : i32
      %add3A_80 = arith.addi %add3A_75, %add3A_79 : i32
      %lt3A = arith.constant 100 : i32
      %lt3A_81 = arith.cmpi slt, %add3A_80, %lt3A : i32
      %convert_element_type3A_82 = arith.extui %lt3A_81 : i1 to i32
      %cond3A = arith.constant 0 : i32
      %cond3A_83 = arith.cmpi ne, %convert_element_type3A_82, %cond3A : i32
      scf.if %cond3A_83 {
        %mul3A_171 = arith.constant 16 : i32
        %mul3A_172 = arith.muli %add3A_80, %mul3A_171 : i32
        %add3A_173 = arith.addi %mul3A_2, %mul3A_172 : i32
        %mul3A_174 = arith.constant 256 : i32
        %mul3A_175 = arith.muli %add3A_173, %mul3A_174 : i32
        %mul3A_176 = arith.constant 2 : i32
        %mul3A_177 = arith.muli %mul3A_175, %mul3A_176 : i32
        %dma_start3A_178 = tpu.memref_slice %arg3[%mul3A_177] : memref<26214400xf32, #tpu.memory_space<hbm>> -> memref<8192xf32, #tpu.memory_space<hbm>>
        %dma_start3A_179 = tpu.memref_slice %arg3[%mul3A_177] : memref<26214400xf32, #tpu.memory_space<hbm>> -> memref<8192xf32, #tpu.memory_space<hbm>>
        tpu.enqueue_dma source(%dma_start3A_179 : memref<8192xf32, #tpu.memory_space<hbm>>) target(%arg8 : memref<8192xf32, #tpu.memory_space<vmem>>) target_semaphore(%arg12 : memref<!tpu.dma_semaphore, #tpu.memory_space<semaphore_mem>>)
      } else {
      }
      %mul3A_84 = arith.constant 256 : i32
      %mul3A_85 = arith.muli %add3A_78, %mul3A_84 : i32
      %mul3A_86 = arith.constant 2 : i32
      %mul3A_87 = arith.muli %mul3A_85, %mul3A_86 : i32
      %dma_wait3A_88 = tpu.memref_slice %arg3[%mul3A_87] : memref<26214400xf32, #tpu.memory_space<hbm>> -> memref<8192xf32, #tpu.memory_space<hbm>>
      %dma_wait3A_89 = tpu.memref_slice %arg3[%mul3A_87] : memref<26214400xf32, #tpu.memory_space<hbm>> -> memref<8192xf32, #tpu.memory_space<hbm>>
      tpu.wait_dma2 semaphore(%arg11 : memref<!tpu.dma_semaphore, #tpu.memory_space<semaphore_mem>>) src(%dma_wait3A_89 : memref<8192xf32, #tpu.memory_space<hbm>>) dst(%arg7 : memref<8192xf32, #tpu.memory_space<vmem>>)
      %ge3A = arith.constant 2 : i32
      %ge3A_90 = arith.cmpi sge, %add3A_75, %ge3A : i32
      %convert_element_type3A_91 = arith.extui %ge3A_90 : i1 to i32
      %cond3A_92 = arith.constant 0 : i32
      %cond3A_93 = arith.cmpi ne, %convert_element_type3A_91, %cond3A_92 : i32
      scf.if %cond3A_93 {
        %mul3A_171 = arith.constant 256 : i32
        %mul3A_172 = arith.muli %add3A_78, %mul3A_171 : i32
        %dma_wait3A_173 = tpu.memref_slice %arg4[%mul3A_172] : memref<13107200xf32, #tpu.memory_space<hbm>> -> memref<4096xf32, #tpu.memory_space<hbm>>
        %dma_wait3A_174 = tpu.memref_slice %arg4[%mul3A_172] : memref<13107200xf32, #tpu.memory_space<hbm>> -> memref<4096xf32, #tpu.memory_space<hbm>>
        tpu.wait_dma2 semaphore(%arg13 : memref<!tpu.dma_semaphore, #tpu.memory_space<semaphore_mem>>) src(%arg9 : memref<4096xf32, #tpu.memory_space<vmem>>) dst(%dma_wait3A_174 : memref<4096xf32, #tpu.memory_space<hbm>>)
      } else {
      }
      %jit3A_94 = arith.constant 256 : i32
      %eq3A = arith.constant 0 : i32
      %eq3A_95 = arith.cmpi eq, %jit3A_94, %eq3A : i32
      %jit3A_96 = arith.constant 1 : i32
      %select_n3A_97 = arith.select %eq3A_95, %jit3A_96, %jit3A_94 : i32
      %rem3A_98 = arith.remsi %add3A_78, %select_n3A_97 : i32
      %ne3A_99 = arith.constant 0 : i32
      %ne3A_100 = arith.cmpi ne, %rem3A_98, %ne3A_99 : i32
      %lt3A_101 = arith.constant 0 : i32
      %lt3A_102 = arith.cmpi slt, %rem3A_98, %lt3A_101 : i32
      %lt3A_103 = arith.constant 0 : i32
      %lt3A_104 = arith.cmpi slt, %select_n3A_97, %lt3A_103 : i32
      %ne3A_105 = arith.xori %lt3A_102, %lt3A_104 : i1
      %and3A_106 = arith.andi %ne3A_105, %ne3A_100 : i1
      %add3A_107 = arith.addi %rem3A_98, %select_n3A_97 : i32
      %select_n3A_108 = arith.select %and3A_106, %add3A_107, %rem3A_98 : i32
      %scan3A_109 = arith.constant 0 : i32
      %scan3A_110 = arith.constant 0 : i32
      %scan3A_111 = arith.constant 64 : i32
      %scan3A_112 = arith.addi %scan3A_110, %scan3A_111 : i32
      %scan3A_113 = arith.constant 1 : i32
      %scan3A_114 = scf.for %scan3A_171 = %scan3A_110 to %scan3A_112 step %scan3A_113 iter_args(%scan3A_172 = %scan3A_109) -> (i32)  : i32 {
        %mul3A_173 = arith.constant 4 : i32
        %mul3A_174 = arith.muli %scan3A_171, %mul3A_173 : i32
        %shift_right_arithmetic3A = arith.constant 4 : i32
        %shift_right_arithmetic3A_175 = arith.shrsi %mul3A_174, %shift_right_arithmetic3A : i32
        %and3A_176 = arith.constant 15 : i32
        %and3A_177 = arith.andi %mul3A_174, %and3A_176 : i32
        %mul3A_178 = arith.constant 512 : i32
        %mul3A_179 = arith.muli %shift_right_arithmetic3A_175, %mul3A_178 : i32
        %shift_right_arithmetic3A_180 = arith.constant 3 : i32
        %shift_right_arithmetic3A_181 = arith.shrsi %and3A_177, %shift_right_arithmetic3A_180 : i32
        %mul3A_182 = arith.constant 256 : i32
        %mul3A_183 = arith.muli %shift_right_arithmetic3A_181, %mul3A_182 : i32
        %add3A_184 = arith.addi %mul3A_179, %mul3A_183 : i32
        %and3A_185 = arith.constant 7 : i32
        %and3A_186 = arith.andi %and3A_177, %and3A_185 : i32
        %mul3A_187 = arith.constant 16 : i32
        %mul3A_188 = arith.muli %and3A_186, %mul3A_187 : i32
        %add3A_189 = arith.addi %add3A_184, %mul3A_188 : i32
        %shift_right_arithmetic3A_190 = arith.constant 3 : i32
        %shift_right_arithmetic3A_191 = arith.shrsi %shift_right_arithmetic3A_175, %shift_right_arithmetic3A_190 : i32
        %mul3A_192 = arith.constant 2048 : i32
        %mul3A_193 = arith.muli %shift_right_arithmetic3A_191, %mul3A_192 : i32
        %shift_right_arithmetic3A_194 = arith.constant 3 : i32
        %shift_right_arithmetic3A_195 = arith.shrsi %and3A_177, %shift_right_arithmetic3A_194 : i32
        %mul3A_196 = arith.constant 1024 : i32
        %mul3A_197 = arith.muli %shift_right_arithmetic3A_195, %mul3A_196 : i32
        %add3A_198 = arith.addi %mul3A_193, %mul3A_197 : i32
        %and3A_199 = arith.constant 7 : i32
        %and3A_200 = arith.andi %shift_right_arithmetic3A_175, %and3A_199 : i32
        %mul3A_201 = arith.constant 128 : i32
        %mul3A_202 = arith.muli %and3A_200, %mul3A_201 : i32
        %add3A_203 = arith.addi %add3A_198, %mul3A_202 : i32
        %and3A_204 = arith.constant 7 : i32
        %and3A_205 = arith.andi %and3A_177, %and3A_204 : i32
        %mul3A_206 = arith.constant 16 : i32
        %mul3A_207 = arith.muli %and3A_205, %mul3A_206 : i32
        %add3A_208 = arith.addi %add3A_203, %mul3A_207 : i32
        %mul3A_209 = arith.constant 16 : i32
        %mul3A_210 = arith.muli %and3A_177, %mul3A_209 : i32
        %convert_element_type3A_211 = arith.sitofp %mul3A_210 : i32 to f32
        %broadcast_in_dim3A_212 = vector.broadcast %convert_element_type3A_211 : f32 to vector<16xf32>
        %add3A_213 = arith.addi %select_n3A_108, %shift_right_arithmetic3A_175 : i32
        %convert_element_type3A_214 = arith.sitofp %add3A_213 : i32 to f32
        %broadcast_in_dim3A_215 = vector.broadcast %convert_element_type3A_214 : f32 to vector<16xf32>
        %add3A_216 = arith.constant 0 : i32
        %add3A_217 = arith.addi %add3A_189, %add3A_216 : i32
        %get3A = arith.index_cast %add3A_217 : i32 to index
        %get3A_218 = tpu.vector_load %arg7[%get3A] {strides = array<i32>} : memref<8192xf32, #tpu.memory_space<vmem>>, vector<16xf32>,
        %add3A_219 = arith.constant 16 : i32
        %add3A_220 = arith.addi %add3A_189, %add3A_219 : i32
        %get3A_221 = arith.index_cast %add3A_220 : i32 to index
        %get3A_222 = tpu.vector_load %arg7[%get3A_221] {strides = array<i32>} : memref<8192xf32, #tpu.memory_space<vmem>>, vector<16xf32>,
        %add3A_223 = arith.constant 32 : i32
        %add3A_224 = arith.addi %add3A_189, %add3A_223 : i32
        %get3A_225 = arith.index_cast %add3A_224 : i32 to index
        %get3A_226 = tpu.vector_load %arg7[%get3A_225] {strides = array<i32>} : memref<8192xf32, #tpu.memory_space<vmem>>, vector<16xf32>,
        %add3A_227 = arith.constant 48 : i32
        %add3A_228 = arith.addi %add3A_189, %add3A_227 : i32
        %get3A_229 = arith.index_cast %add3A_228 : i32 to index
        %get3A_230 = tpu.vector_load %arg7[%get3A_229] {strides = array<i32>} : memref<8192xf32, #tpu.memory_space<vmem>>, vector<16xf32>,
        %add3A_231 = arith.constant 0 : i32
        %add3A_232 = arith.addi %add3A_189, %add3A_231 : i32
        %add3A_233 = arith.constant 128 : i32
        %add3A_234 = arith.addi %add3A_232, %add3A_233 : i32
        %get3A_235 = arith.index_cast %add3A_234 : i32 to index
        %get3A_236 = tpu.vector_load %arg7[%get3A_235] {strides = array<i32>} : memref<8192xf32, #tpu.memory_space<vmem>>, vector<16xf32>,
        %add3A_237 = arith.constant 16 : i32
        %add3A_238 = arith.addi %add3A_189, %add3A_237 : i32
        %add3A_239 = arith.constant 128 : i32
        %add3A_240 = arith.addi %add3A_238, %add3A_239 : i32
        %get3A_241 = arith.index_cast %add3A_240 : i32 to index
        %get3A_242 = tpu.vector_load %arg7[%get3A_241] {strides = array<i32>} : memref<8192xf32, #tpu.memory_space<vmem>>, vector<16xf32>,
        %add3A_243 = arith.constant 32 : i32
        %add3A_244 = arith.addi %add3A_189, %add3A_243 : i32
        %add3A_245 = arith.constant 128 : i32
        %add3A_246 = arith.addi %add3A_244, %add3A_245 : i32
        %get3A_247 = arith.index_cast %add3A_246 : i32 to index
        %get3A_248 = tpu.vector_load %arg7[%get3A_247] {strides = array<i32>} : memref<8192xf32, #tpu.memory_space<vmem>>, vector<16xf32>,
        %add3A_249 = arith.constant 48 : i32
        %add3A_250 = arith.addi %add3A_189, %add3A_249 : i32
        %add3A_251 = arith.constant 128 : i32
        %add3A_252 = arith.addi %add3A_250, %add3A_251 : i32
        %get3A_253 = arith.index_cast %add3A_252 : i32 to index
        %get3A_254 = tpu.vector_load %arg7[%get3A_253] {strides = array<i32>} : memref<8192xf32, #tpu.memory_space<vmem>>, vector<16xf32>,
        %add3A_255 = arith.addf %add3A_22, %broadcast_in_dim3A_212 : vector<16xf32>
        %add3A_256 = arith.addf %add3A_25, %broadcast_in_dim3A_212 : vector<16xf32>
        %add3A_257 = arith.addf %add3A_28, %broadcast_in_dim3A_212 : vector<16xf32>
        %add3A_258 = arith.addf %add3A_31, %broadcast_in_dim3A_212 : vector<16xf32>
        %add3A_259 = arith.addf %get3A_218, %add3A_255 : vector<16xf32>
        %add3A_260 = arith.addf %get3A_222, %add3A_256 : vector<16xf32>
        %add3A_261 = arith.addf %get3A_226, %add3A_257 : vector<16xf32>
        %add3A_262 = arith.addf %get3A_230, %add3A_258 : vector<16xf32>
        %add3A_263 = arith.addf %get3A_236, %broadcast_in_dim3A_215 : vector<16xf32>
        %add3A_264 = arith.addf %get3A_242, %broadcast_in_dim3A_215 : vector<16xf32>
        %add3A_265 = arith.addf %get3A_248, %broadcast_in_dim3A_215 : vector<16xf32>
        %add3A_266 = arith.addf %get3A_254, %broadcast_in_dim3A_215 : vector<16xf32>
        %convert_element_type3A_267 = arith.fptosi %add3A_259 : vector<16xf32> to vector<16xi32>
        %convert_element_type3A_268 = arith.fptosi %add3A_260 : vector<16xf32> to vector<16xi32>
        %convert_element_type3A_269 = arith.fptosi %add3A_261 : vector<16xf32> to vector<16xi32>
        %convert_element_type3A_270 = arith.fptosi %add3A_262 : vector<16xf32> to vector<16xi32>
        %convert_element_type3A_271 = arith.fptosi %add3A_263 : vector<16xf32> to vector<16xi32>
        %convert_element_type3A_272 = arith.fptosi %add3A_264 : vector<16xf32> to vector<16xi32>
        %convert_element_type3A_273 = arith.fptosi %add3A_265 : vector<16xf32> to vector<16xi32>
        %convert_element_type3A_274 = arith.fptosi %add3A_266 : vector<16xf32> to vector<16xi32>
        %lt3A_275 = arith.constant 0.000000e+00 : f32
        %lt3A_276 = vector.broadcast %lt3A_275 : f32 to vector<16xf32>
        %lt3A_277 = arith.cmpf olt, %add3A_259, %lt3A_276 : vector<16xf32>
        %sub3A_278 = arith.constant 1 : i32
        %sub3A_279 = vector.broadcast %sub3A_278 : i32 to vector<16xi32>
        %sub3A_280 = arith.subi %convert_element_type3A_267, %sub3A_279 : vector<16xi32>
        %select_n3A_281 = arith.select %lt3A_277, %sub3A_280, %convert_element_type3A_267 : vector<16xi1>, vector<16xi32>
        %lt3A_282 = arith.constant 0.000000e+00 : f32
        %lt3A_283 = vector.broadcast %lt3A_282 : f32 to vector<16xf32>
        %lt3A_284 = arith.cmpf olt, %add3A_260, %lt3A_283 : vector<16xf32>
        %sub3A_285 = arith.constant 1 : i32
        %sub3A_286 = vector.broadcast %sub3A_285 : i32 to vector<16xi32>
        %sub3A_287 = arith.subi %convert_element_type3A_268, %sub3A_286 : vector<16xi32>
        %select_n3A_288 = arith.select %lt3A_284, %sub3A_287, %convert_element_type3A_268 : vector<16xi1>, vector<16xi32>
        %lt3A_289 = arith.constant 0.000000e+00 : f32
        %lt3A_290 = vector.broadcast %lt3A_289 : f32 to vector<16xf32>
        %lt3A_291 = arith.cmpf olt, %add3A_261, %lt3A_290 : vector<16xf32>
        %sub3A_292 = arith.constant 1 : i32
        %sub3A_293 = vector.broadcast %sub3A_292 : i32 to vector<16xi32>
        %sub3A_294 = arith.subi %convert_element_type3A_269, %sub3A_293 : vector<16xi32>
        %select_n3A_295 = arith.select %lt3A_291, %sub3A_294, %convert_element_type3A_269 : vector<16xi1>, vector<16xi32>
        %lt3A_296 = arith.constant 0.000000e+00 : f32
        %lt3A_297 = vector.broadcast %lt3A_296 : f32 to vector<16xf32>
        %lt3A_298 = arith.cmpf olt, %add3A_262, %lt3A_297 : vector<16xf32>
        %sub3A_299 = arith.constant 1 : i32
        %sub3A_300 = vector.broadcast %sub3A_299 : i32 to vector<16xi32>
        %sub3A_301 = arith.subi %convert_element_type3A_270, %sub3A_300 : vector<16xi32>
        %select_n3A_302 = arith.select %lt3A_298, %sub3A_301, %convert_element_type3A_270 : vector<16xi1>, vector<16xi32>
        %lt3A_303 = arith.constant 0.000000e+00 : f32
        %lt3A_304 = vector.broadcast %lt3A_303 : f32 to vector<16xf32>
        %lt3A_305 = arith.cmpf olt, %add3A_263, %lt3A_304 : vector<16xf32>
        %sub3A_306 = arith.constant 1 : i32
        %sub3A_307 = vector.broadcast %sub3A_306 : i32 to vector<16xi32>
        %sub3A_308 = arith.subi %convert_element_type3A_271, %sub3A_307 : vector<16xi32>
        %select_n3A_309 = arith.select %lt3A_305, %sub3A_308, %convert_element_type3A_271 : vector<16xi1>, vector<16xi32>
        %lt3A_310 = arith.constant 0.000000e+00 : f32
        %lt3A_311 = vector.broadcast %lt3A_310 : f32 to vector<16xf32>
        %lt3A_312 = arith.cmpf olt, %add3A_264, %lt3A_311 : vector<16xf32>
        %sub3A_313 = arith.constant 1 : i32
        %sub3A_314 = vector.broadcast %sub3A_313 : i32 to vector<16xi32>
        %sub3A_315 = arith.subi %convert_element_type3A_272, %sub3A_314 : vector<16xi32>
        %select_n3A_316 = arith.select %lt3A_312, %sub3A_315, %convert_element_type3A_272 : vector<16xi1>, vector<16xi32>
        %lt3A_317 = arith.constant 0.000000e+00 : f32
        %lt3A_318 = vector.broadcast %lt3A_317 : f32 to vector<16xf32>
        %lt3A_319 = arith.cmpf olt, %add3A_265, %lt3A_318 : vector<16xf32>
        %sub3A_320 = arith.constant 1 : i32
        %sub3A_321 = vector.broadcast %sub3A_320 : i32 to vector<16xi32>
        %sub3A_322 = arith.subi %convert_element_type3A_273, %sub3A_321 : vector<16xi32>
        %select_n3A_323 = arith.select %lt3A_319, %sub3A_322, %convert_element_type3A_273 : vector<16xi1>, vector<16xi32>
        %lt3A_324 = arith.constant 0.000000e+00 : f32
        %lt3A_325 = vector.broadcast %lt3A_324 : f32 to vector<16xf32>
        %lt3A_326 = arith.cmpf olt, %add3A_266, %lt3A_325 : vector<16xf32>
        %sub3A_327 = arith.constant 1 : i32
        %sub3A_328 = vector.broadcast %sub3A_327 : i32 to vector<16xi32>
        %sub3A_329 = arith.subi %convert_element_type3A_274, %sub3A_328 : vector<16xi32>
        %select_n3A_330 = arith.select %lt3A_326, %sub3A_329, %convert_element_type3A_274 : vector<16xi1>, vector<16xi32>
        %convert_element_type3A_331 = arith.sitofp %select_n3A_281 : vector<16xi32> to vector<16xf32>
        %sub3A_332 = arith.subf %add3A_259, %convert_element_type3A_331 : vector<16xf32>
        %convert_element_type3A_333 = arith.sitofp %select_n3A_288 : vector<16xi32> to vector<16xf32>
        %sub3A_334 = arith.subf %add3A_260, %convert_element_type3A_333 : vector<16xf32>
        %convert_element_type3A_335 = arith.sitofp %select_n3A_295 : vector<16xi32> to vector<16xf32>
        %sub3A_336 = arith.subf %add3A_261, %convert_element_type3A_335 : vector<16xf32>
        %convert_element_type3A_337 = arith.sitofp %select_n3A_302 : vector<16xi32> to vector<16xf32>
        %sub3A_338 = arith.subf %add3A_262, %convert_element_type3A_337 : vector<16xf32>
        %convert_element_type3A_339 = arith.sitofp %select_n3A_309 : vector<16xi32> to vector<16xf32>
        %sub3A_340 = arith.subf %add3A_263, %convert_element_type3A_339 : vector<16xf32>
        %convert_element_type3A_341 = arith.sitofp %select_n3A_316 : vector<16xi32> to vector<16xf32>
        %sub3A_342 = arith.subf %add3A_264, %convert_element_type3A_341 : vector<16xf32>
        %convert_element_type3A_343 = arith.sitofp %select_n3A_323 : vector<16xi32> to vector<16xf32>
        %sub3A_344 = arith.subf %add3A_265, %convert_element_type3A_343 : vector<16xf32>
        %convert_element_type3A_345 = arith.sitofp %select_n3A_330 : vector<16xi32> to vector<16xf32>
        %sub3A_346 = arith.subf %add3A_266, %convert_element_type3A_345 : vector<16xf32>
        %max3A = arith.constant -2 : i32
        %max3A_347 = vector.broadcast %max3A : i32 to vector<16xi32>
        %max3A_348 = arith.maxsi %select_n3A_281, %max3A_347 : vector<16xi32>
        %min3A = arith.constant 257 : i32
        %min3A_349 = vector.broadcast %min3A : i32 to vector<16xi32>
        %min3A_350 = arith.minsi %max3A_348, %min3A_349 : vector<16xi32>
        %max3A_351 = arith.constant -2 : i32
        %max3A_352 = vector.broadcast %max3A_351 : i32 to vector<16xi32>
        %max3A_353 = arith.maxsi %select_n3A_288, %max3A_352 : vector<16xi32>
        %min3A_354 = arith.constant 257 : i32
        %min3A_355 = vector.broadcast %min3A_354 : i32 to vector<16xi32>
        %min3A_356 = arith.minsi %max3A_353, %min3A_355 : vector<16xi32>
        %max3A_357 = arith.constant -2 : i32
        %max3A_358 = vector.broadcast %max3A_357 : i32 to vector<16xi32>
        %max3A_359 = arith.maxsi %select_n3A_295, %max3A_358 : vector<16xi32>
        %min3A_360 = arith.constant 257 : i32
        %min3A_361 = vector.broadcast %min3A_360 : i32 to vector<16xi32>
        %min3A_362 = arith.minsi %max3A_359, %min3A_361 : vector<16xi32>
        %max3A_363 = arith.constant -2 : i32
        %max3A_364 = vector.broadcast %max3A_363 : i32 to vector<16xi32>
        %max3A_365 = arith.maxsi %select_n3A_302, %max3A_364 : vector<16xi32>
        %min3A_366 = arith.constant 257 : i32
        %min3A_367 = vector.broadcast %min3A_366 : i32 to vector<16xi32>
        %min3A_368 = arith.minsi %max3A_365, %min3A_367 : vector<16xi32>
        %max3A_369 = arith.constant -2 : i32
        %max3A_370 = vector.broadcast %max3A_369 : i32 to vector<16xi32>
        %max3A_371 = arith.maxsi %select_n3A_309, %max3A_370 : vector<16xi32>
        %min3A_372 = arith.constant 257 : i32
        %min3A_373 = vector.broadcast %min3A_372 : i32 to vector<16xi32>
        %min3A_374 = arith.minsi %max3A_371, %min3A_373 : vector<16xi32>
        %max3A_375 = arith.constant -2 : i32
        %max3A_376 = vector.broadcast %max3A_375 : i32 to vector<16xi32>
        %max3A_377 = arith.maxsi %select_n3A_316, %max3A_376 : vector<16xi32>
        %min3A_378 = arith.constant 257 : i32
        %min3A_379 = vector.broadcast %min3A_378 : i32 to vector<16xi32>
        %min3A_380 = arith.minsi %max3A_377, %min3A_379 : vector<16xi32>
        %max3A_381 = arith.constant -2 : i32
        %max3A_382 = vector.broadcast %max3A_381 : i32 to vector<16xi32>
        %max3A_383 = arith.maxsi %select_n3A_323, %max3A_382 : vector<16xi32>
        %min3A_384 = arith.constant 257 : i32
        %min3A_385 = vector.broadcast %min3A_384 : i32 to vector<16xi32>
        %min3A_386 = arith.minsi %max3A_383, %min3A_385 : vector<16xi32>
        %max3A_387 = arith.constant -2 : i32
        %max3A_388 = vector.broadcast %max3A_387 : i32 to vector<16xi32>
        %max3A_389 = arith.maxsi %select_n3A_330, %max3A_388 : vector<16xi32>
        %min3A_390 = arith.constant 257 : i32
        %min3A_391 = vector.broadcast %min3A_390 : i32 to vector<16xi32>
        %min3A_392 = arith.minsi %max3A_389, %min3A_391 : vector<16xi32>
        %mul3A_393 = arith.constant 264 : i32
        %mul3A_394 = vector.broadcast %mul3A_393 : i32 to vector<16xi32>
        %mul3A_395 = arith.muli %min3A_374, %mul3A_394 : vector<16xi32>
        %add3A_396 = arith.constant 536 : i32
        %add3A_397 = vector.broadcast %add3A_396 : i32 to vector<16xi32>
        %add3A_398 = arith.addi %min3A_350, %add3A_397 : vector<16xi32>
        %add3A_399 = arith.addi %mul3A_395, %add3A_398 : vector<16xi32>
        %mul3A_400 = arith.constant 264 : i32
        %mul3A_401 = vector.broadcast %mul3A_400 : i32 to vector<16xi32>
        %mul3A_402 = arith.muli %min3A_380, %mul3A_401 : vector<16xi32>
        %add3A_403 = arith.constant 536 : i32
        %add3A_404 = vector.broadcast %add3A_403 : i32 to vector<16xi32>
        %add3A_405 = arith.addi %min3A_356, %add3A_404 : vector<16xi32>
        %add3A_406 = arith.addi %mul3A_402, %add3A_405 : vector<16xi32>
        %mul3A_407 = arith.constant 264 : i32
        %mul3A_408 = vector.broadcast %mul3A_407 : i32 to vector<16xi32>
        %mul3A_409 = arith.muli %min3A_386, %mul3A_408 : vector<16xi32>
        %add3A_410 = arith.constant 536 : i32
        %add3A_411 = vector.broadcast %add3A_410 : i32 to vector<16xi32>
        %add3A_412 = arith.addi %min3A_362, %add3A_411 : vector<16xi32>
        %add3A_413 = arith.addi %mul3A_409, %add3A_412 : vector<16xi32>
        %mul3A_414 = arith.constant 264 : i32
        %mul3A_415 = vector.broadcast %mul3A_414 : i32 to vector<16xi32>
        %mul3A_416 = arith.muli %min3A_392, %mul3A_415 : vector<16xi32>
        %add3A_417 = arith.constant 536 : i32
        %add3A_418 = vector.broadcast %add3A_417 : i32 to vector<16xi32>
        %add3A_419 = arith.addi %min3A_368, %add3A_418 : vector<16xi32>
        %add3A_420 = arith.addi %mul3A_416, %add3A_419 : vector<16xi32>
        %add3A_421 = arith.constant 264 : i32
        %add3A_422 = vector.broadcast %add3A_421 : i32 to vector<16xi32>
        %add3A_423 = arith.addi %add3A_399, %add3A_422 : vector<16xi32>
        %add3A_424 = arith.constant 264 : i32
        %add3A_425 = vector.broadcast %add3A_424 : i32 to vector<16xi32>
        %add3A_426 = arith.addi %add3A_406, %add3A_425 : vector<16xi32>
        %add3A_427 = arith.constant 264 : i32
        %add3A_428 = vector.broadcast %add3A_427 : i32 to vector<16xi32>
        %add3A_429 = arith.addi %add3A_413, %add3A_428 : vector<16xi32>
        %add3A_430 = arith.constant 264 : i32
        %add3A_431 = vector.broadcast %add3A_430 : i32 to vector<16xi32>
        %add3A_432 = arith.addi %add3A_420, %add3A_431 : vector<16xi32>
        %gather3A = tpu.vector_load_idx %arg5[%add3A_399] : memref<69184xf32, #tpu.memory_space<vmem>>[vector<16xi32>], vector<16xf32>,
        %gather3A_433 = tpu.vector_load_idx %arg5[%add3A_406] : memref<69184xf32, #tpu.memory_space<vmem>>[vector<16xi32>], vector<16xf32>,
        %gather3A_434 = tpu.vector_load_idx %arg5[%add3A_413] : memref<69184xf32, #tpu.memory_space<vmem>>[vector<16xi32>], vector<16xf32>,
        %gather3A_435 = tpu.vector_load_idx %arg5[%add3A_420] : memref<69184xf32, #tpu.memory_space<vmem>>[vector<16xi32>], vector<16xf32>,
        %add3A_436 = arith.constant 1 : i32
        %add3A_437 = vector.broadcast %add3A_436 : i32 to vector<16xi32>
        %add3A_438 = arith.addi %add3A_399, %add3A_437 : vector<16xi32>
        %gather3A_439 = tpu.vector_load_idx %arg5[%add3A_438] : memref<69184xf32, #tpu.memory_space<vmem>>[vector<16xi32>], vector<16xf32>,
        %add3A_440 = arith.constant 1 : i32
        %add3A_441 = vector.broadcast %add3A_440 : i32 to vector<16xi32>
        %add3A_442 = arith.addi %add3A_406, %add3A_441 : vector<16xi32>
        %gather3A_443 = tpu.vector_load_idx %arg5[%add3A_442] : memref<69184xf32, #tpu.memory_space<vmem>>[vector<16xi32>], vector<16xf32>,
        %add3A_444 = arith.constant 1 : i32
        %add3A_445 = vector.broadcast %add3A_444 : i32 to vector<16xi32>
        %add3A_446 = arith.addi %add3A_413, %add3A_445 : vector<16xi32>
        %gather3A_447 = tpu.vector_load_idx %arg5[%add3A_446] : memref<69184xf32, #tpu.memory_space<vmem>>[vector<16xi32>], vector<16xf32>,
        %add3A_448 = arith.constant 1 : i32
        %add3A_449 = vector.broadcast %add3A_448 : i32 to vector<16xi32>
        %add3A_450 = arith.addi %add3A_420, %add3A_449 : vector<16xi32>
        %gather3A_451 = tpu.vector_load_idx %arg5[%add3A_450] : memref<69184xf32, #tpu.memory_space<vmem>>[vector<16xi32>], vector<16xf32>,
        %gather3A_452 = tpu.vector_load_idx %arg5[%add3A_423] : memref<69184xf32, #tpu.memory_space<vmem>>[vector<16xi32>], vector<16xf32>,
        %gather3A_453 = tpu.vector_load_idx %arg5[%add3A_426] : memref<69184xf32, #tpu.memory_space<vmem>>[vector<16xi32>], vector<16xf32>,
        %gather3A_454 = tpu.vector_load_idx %arg5[%add3A_429] : memref<69184xf32, #tpu.memory_space<vmem>>[vector<16xi32>], vector<16xf32>,
        %gather3A_455 = tpu.vector_load_idx %arg5[%add3A_432] : memref<69184xf32, #tpu.memory_space<vmem>>[vector<16xi32>], vector<16xf32>,
        %add3A_456 = arith.constant 1 : i32
        %add3A_457 = vector.broadcast %add3A_456 : i32 to vector<16xi32>
        %add3A_458 = arith.addi %add3A_423, %add3A_457 : vector<16xi32>
        %gather3A_459 = tpu.vector_load_idx %arg5[%add3A_458] : memref<69184xf32, #tpu.memory_space<vmem>>[vector<16xi32>], vector<16xf32>,
        %add3A_460 = arith.constant 1 : i32
        %add3A_461 = vector.broadcast %add3A_460 : i32 to vector<16xi32>
        %add3A_462 = arith.addi %add3A_426, %add3A_461 : vector<16xi32>
        %gather3A_463 = tpu.vector_load_idx %arg5[%add3A_462] : memref<69184xf32, #tpu.memory_space<vmem>>[vector<16xi32>], vector<16xf32>,
        %add3A_464 = arith.constant 1 : i32
        %add3A_465 = vector.broadcast %add3A_464 : i32 to vector<16xi32>
        %add3A_466 = arith.addi %add3A_429, %add3A_465 : vector<16xi32>
        %gather3A_467 = tpu.vector_load_idx %arg5[%add3A_466] : memref<69184xf32, #tpu.memory_space<vmem>>[vector<16xi32>], vector<16xf32>,
        %add3A_468 = arith.constant 1 : i32
        %add3A_469 = vector.broadcast %add3A_468 : i32 to vector<16xi32>
        %add3A_470 = arith.addi %add3A_432, %add3A_469 : vector<16xi32>
        %gather3A_471 = tpu.vector_load_idx %arg5[%add3A_470] : memref<69184xf32, #tpu.memory_space<vmem>>[vector<16xi32>], vector<16xf32>,
        %sub3A_472 = arith.subf %gather3A_439, %gather3A : vector<16xf32>
        %mul3A_473 = arith.mulf %sub3A_332, %sub3A_472 : vector<16xf32>
        %add3A_474 = arith.addf %gather3A, %mul3A_473 : vector<16xf32>
        %sub3A_475 = arith.subf %gather3A_459, %gather3A_452 : vector<16xf32>
        %mul3A_476 = arith.mulf %sub3A_332, %sub3A_475 : vector<16xf32>
        %add3A_477 = arith.addf %gather3A_452, %mul3A_476 : vector<16xf32>
        %sub3A_478 = arith.subf %add3A_477, %add3A_474 : vector<16xf32>
        %mul3A_479 = arith.mulf %sub3A_340, %sub3A_478 : vector<16xf32>
        %add3A_480 = arith.addf %add3A_474, %mul3A_479 : vector<16xf32>
        %add3A_481 = arith.constant 0 : i32
        %add3A_482 = arith.addi %add3A_208, %add3A_481 : i32
        %swap3A = arith.index_cast %add3A_482 : i32 to index
        %swap3A_483 = tpu.vector_load %arg9[%swap3A] {strides = array<i32>} : memref<4096xf32, #tpu.memory_space<vmem>>, vector<16xf32>,
        tpu.vector_store %arg9[%swap3A], %add3A_480 {strides = array<i32>} : memref<4096xf32, #tpu.memory_space<vmem>>, vector<16xf32>,
        %sub3A_484 = arith.subf %gather3A_443, %gather3A_433 : vector<16xf32>
        %mul3A_485 = arith.mulf %sub3A_334, %sub3A_484 : vector<16xf32>
        %add3A_486 = arith.addf %gather3A_433, %mul3A_485 : vector<16xf32>
        %sub3A_487 = arith.subf %gather3A_463, %gather3A_453 : vector<16xf32>
        %mul3A_488 = arith.mulf %sub3A_334, %sub3A_487 : vector<16xf32>
        %add3A_489 = arith.addf %gather3A_453, %mul3A_488 : vector<16xf32>
        %sub3A_490 = arith.subf %add3A_489, %add3A_486 : vector<16xf32>
        %mul3A_491 = arith.mulf %sub3A_342, %sub3A_490 : vector<16xf32>
        %add3A_492 = arith.addf %add3A_486, %mul3A_491 : vector<16xf32>
        %add3A_493 = arith.constant 16 : i32
        %add3A_494 = arith.addi %add3A_208, %add3A_493 : i32
        %swap3A_495 = arith.index_cast %add3A_494 : i32 to index
        %swap3A_496 = tpu.vector_load %arg9[%swap3A_495] {strides = array<i32>} : memref<4096xf32, #tpu.memory_space<vmem>>, vector<16xf32>,
        tpu.vector_store %arg9[%swap3A_495], %add3A_492 {strides = array<i32>} : memref<4096xf32, #tpu.memory_space<vmem>>, vector<16xf32>,
        %sub3A_497 = arith.subf %gather3A_447, %gather3A_434 : vector<16xf32>
        %mul3A_498 = arith.mulf %sub3A_336, %sub3A_497 : vector<16xf32>
        %add3A_499 = arith.addf %gather3A_434, %mul3A_498 : vector<16xf32>
        %sub3A_500 = arith.subf %gather3A_467, %gather3A_454 : vector<16xf32>
        %mul3A_501 = arith.mulf %sub3A_336, %sub3A_500 : vector<16xf32>
        %add3A_502 = arith.addf %gather3A_454, %mul3A_501 : vector<16xf32>
        %sub3A_503 = arith.subf %add3A_502, %add3A_499 : vector<16xf32>
        %mul3A_504 = arith.mulf %sub3A_344, %sub3A_503 : vector<16xf32>
        %add3A_505 = arith.addf %add3A_499, %mul3A_504 : vector<16xf32>
        %add3A_506 = arith.constant 32 : i32
        %add3A_507 = arith.addi %add3A_208, %add3A_506 : i32
        %swap3A_508 = arith.index_cast %add3A_507 : i32 to index
        %swap3A_509 = tpu.vector_load %arg9[%swap3A_508] {strides = array<i32>} : memref<4096xf32, #tpu.memory_space<vmem>>, vector<16xf32>,
        tpu.vector_store %arg9[%swap3A_508], %add3A_505 {strides = array<i32>} : memref<4096xf32, #tpu.memory_space<vmem>>, vector<16xf32>,
        %sub3A_510 = arith.subf %gather3A_451, %gather3A_435 : vector<16xf32>
        %mul3A_511 = arith.mulf %sub3A_338, %sub3A_510 : vector<16xf32>
        %add3A_512 = arith.addf %gather3A_435, %mul3A_511 : vector<16xf32>
        %sub3A_513 = arith.subf %gather3A_471, %gather3A_455 : vector<16xf32>
        %mul3A_514 = arith.mulf %sub3A_338, %sub3A_513 : vector<16xf32>
        %add3A_515 = arith.addf %gather3A_455, %mul3A_514 : vector<16xf32>
        %sub3A_516 = arith.subf %add3A_515, %add3A_512 : vector<16xf32>
        %mul3A_517 = arith.mulf %sub3A_346, %sub3A_516 : vector<16xf32>
        %add3A_518 = arith.addf %add3A_512, %mul3A_517 : vector<16xf32>
        %add3A_519 = arith.constant 48 : i32
        %add3A_520 = arith.addi %add3A_208, %add3A_519 : i32
        %swap3A_521 = arith.index_cast %add3A_520 : i32 to index
        %swap3A_522 = tpu.vector_load %arg9[%swap3A_521] {strides = array<i32>} : memref<4096xf32, #tpu.memory_space<vmem>>, vector<16xf32>,
        tpu.vector_store %arg9[%swap3A_521], %add3A_518 {strides = array<i32>} : memref<4096xf32, #tpu.memory_space<vmem>>, vector<16xf32>,
        %scan3A_523 = arith.constant 0 : i32
        scf.yield %scan3A_523 : i32
      }
      %scan3A_115 = arith.constant 64 : i32
      %mul3A_116 = arith.constant 256 : i32
      %mul3A_117 = arith.muli %add3A_78, %mul3A_116 : i32
      %dma_start3A_118 = tpu.memref_slice %arg4[%mul3A_117] : memref<13107200xf32, #tpu.memory_space<hbm>> -> memref<4096xf32, #tpu.memory_space<hbm>>
      %dma_start3A_119 = tpu.memref_slice %arg4[%mul3A_117] : memref<13107200xf32, #tpu.memory_space<hbm>> -> memref<4096xf32, #tpu.memory_space<hbm>>
      tpu.enqueue_dma source(%arg9 : memref<4096xf32, #tpu.memory_space<vmem>>) target(%dma_start3A_119 : memref<4096xf32, #tpu.memory_space<hbm>>) target_semaphore(%arg13 : memref<!tpu.dma_semaphore, #tpu.memory_space<semaphore_mem>>)
      %add3A_120 = arith.constant 1 : i32
      %add3A_121 = arith.addi %mul3A_73, %add3A_120 : i32
      %mul3A_122 = arith.constant 16 : i32
      %mul3A_123 = arith.muli %add3A_121, %mul3A_122 : i32
      %add3A_124 = arith.addi %mul3A_2, %mul3A_123 : i32
      %add3A_125 = arith.constant 1 : i32
      %add3A_126 = arith.addi %add3A_121, %add3A_125 : i32
      %lt3A_127 = arith.constant 100 : i32
      %lt3A_128 = arith.cmpi slt, %add3A_126, %lt3A_127 : i32
      %convert_element_type3A_129 = arith.extui %lt3A_128 : i1 to i32
      %cond3A_130 = arith.constant 0 : i32
      %cond3A_131 = arith.cmpi ne, %convert_element_type3A_129, %cond3A_130 : i32
      scf.if %cond3A_131 {
        %mul3A_171 = arith.constant 16 : i32
        %mul3A_172 = arith.muli %add3A_126, %mul3A_171 : i32
        %add3A_173 = arith.addi %mul3A_2, %mul3A_172 : i32
        %mul3A_174 = arith.constant 256 : i32
        %mul3A_175 = arith.muli %add3A_173, %mul3A_174 : i32
        %mul3A_176 = arith.constant 2 : i32
        %mul3A_177 = arith.muli %mul3A_175, %mul3A_176 : i32
        %dma_start3A_178 = tpu.memref_slice %arg3[%mul3A_177] : memref<26214400xf32, #tpu.memory_space<hbm>> -> memref<8192xf32, #tpu.memory_space<hbm>>
        %dma_start3A_179 = tpu.memref_slice %arg3[%mul3A_177] : memref<26214400xf32, #tpu.memory_space<hbm>> -> memref<8192xf32, #tpu.memory_space<hbm>>
        tpu.enqueue_dma source(%dma_start3A_179 : memref<8192xf32, #tpu.memory_space<hbm>>) target(%arg7 : memref<8192xf32, #tpu.memory_space<vmem>>) target_semaphore(%arg11 : memref<!tpu.dma_semaphore, #tpu.memory_space<semaphore_mem>>)
      } else {
      }
      %mul3A_132 = arith.constant 256 : i32
      %mul3A_133 = arith.muli %add3A_124, %mul3A_132 : i32
      %mul3A_134 = arith.constant 2 : i32
      %mul3A_135 = arith.muli %mul3A_133, %mul3A_134 : i32
      %dma_wait3A_136 = tpu.memref_slice %arg3[%mul3A_135] : memref<26214400xf32, #tpu.memory_space<hbm>> -> memref<8192xf32, #tpu.memory_space<hbm>>
      %dma_wait3A_137 = tpu.memref_slice %arg3[%mul3A_135] : memref<26214400xf32, #tpu.memory_space<hbm>> -> memref<8192xf32, #tpu.memory_space<hbm>>
      tpu.wait_dma2 semaphore(%arg12 : memref<!tpu.dma_semaphore, #tpu.memory_space<semaphore_mem>>) src(%dma_wait3A_137 : memref<8192xf32, #tpu.memory_space<hbm>>) dst(%arg8 : memref<8192xf32, #tpu.memory_space<vmem>>)
      %ge3A_138 = arith.constant 2 : i32
      %ge3A_139 = arith.cmpi sge, %add3A_121, %ge3A_138 : i32
      %convert_element_type3A_140 = arith.extui %ge3A_139 : i1 to i32
      %cond3A_141 = arith.constant 0 : i32
      %cond3A_142 = arith.cmpi ne, %convert_element_type3A_140, %cond3A_141 : i32
      scf.if %cond3A_142 {
        %mul3A_171 = arith.constant 256 : i32
        %mul3A_172 = arith.muli %add3A_124, %mul3A_171 : i32
        %dma_wait3A_173 = tpu.memref_slice %arg4[%mul3A_172] : memref<13107200xf32, #tpu.memory_space<hbm>> -> memref<4096xf32, #tpu.memory_space<hbm>>
        %dma_wait3A_174 = tpu.memref_slice %arg4[%mul3A_172] : memref<13107200xf32, #tpu.memory_space<hbm>> -> memref<4096xf32, #tpu.memory_space<hbm>>
        tpu.wait_dma2 semaphore(%arg14 : memref<!tpu.dma_semaphore, #tpu.memory_space<semaphore_mem>>) src(%arg10 : memref<4096xf32, #tpu.memory_space<vmem>>) dst(%dma_wait3A_174 : memref<4096xf32, #tpu.memory_space<hbm>>)
      } else {
      }
      %jit3A_143 = arith.constant 256 : i32
      %eq3A_144 = arith.constant 0 : i32
      %eq3A_145 = arith.cmpi eq, %jit3A_143, %eq3A_144 : i32
      %jit3A_146 = arith.constant 1 : i32
      %select_n3A_147 = arith.select %eq3A_145, %jit3A_146, %jit3A_143 : i32
      %rem3A_148 = arith.remsi %add3A_124, %select_n3A_147 : i32
      %ne3A_149 = arith.constant 0 : i32
      %ne3A_150 = arith.cmpi ne, %rem3A_148, %ne3A_149 : i32
      %lt3A_151 = arith.constant 0 : i32
      %lt3A_152 = arith.cmpi slt, %rem3A_148, %lt3A_151 : i32
      %lt3A_153 = arith.constant 0 : i32
      %lt3A_154 = arith.cmpi slt, %select_n3A_147, %lt3A_153 : i32
      %ne3A_155 = arith.xori %lt3A_152, %lt3A_154 : i1
      %and3A_156 = arith.andi %ne3A_155, %ne3A_150 : i1
      %add3A_157 = arith.addi %rem3A_148, %select_n3A_147 : i32
      %select_n3A_158 = arith.select %and3A_156, %add3A_157, %rem3A_148 : i32
      %scan3A_159 = arith.constant 0 : i32
      %scan3A_160 = arith.constant 0 : i32
      %scan3A_161 = arith.constant 64 : i32
      %scan3A_162 = arith.addi %scan3A_160, %scan3A_161 : i32
      %scan3A_163 = arith.constant 1 : i32
      %scan3A_164 = scf.for %scan3A_171 = %scan3A_160 to %scan3A_162 step %scan3A_163 iter_args(%scan3A_172 = %scan3A_159) -> (i32)  : i32 {
        %mul3A_173 = arith.constant 4 : i32
        %mul3A_174 = arith.muli %scan3A_171, %mul3A_173 : i32
        %shift_right_arithmetic3A = arith.constant 4 : i32
        %shift_right_arithmetic3A_175 = arith.shrsi %mul3A_174, %shift_right_arithmetic3A : i32
        %and3A_176 = arith.constant 15 : i32
        %and3A_177 = arith.andi %mul3A_174, %and3A_176 : i32
        %mul3A_178 = arith.constant 512 : i32
        %mul3A_179 = arith.muli %shift_right_arithmetic3A_175, %mul3A_178 : i32
        %shift_right_arithmetic3A_180 = arith.constant 3 : i32
        %shift_right_arithmetic3A_181 = arith.shrsi %and3A_177, %shift_right_arithmetic3A_180 : i32
        %mul3A_182 = arith.constant 256 : i32
        %mul3A_183 = arith.muli %shift_right_arithmetic3A_181, %mul3A_182 : i32
        %add3A_184 = arith.addi %mul3A_179, %mul3A_183 : i32
        %and3A_185 = arith.constant 7 : i32
        %and3A_186 = arith.andi %and3A_177, %and3A_185 : i32
        %mul3A_187 = arith.constant 16 : i32
        %mul3A_188 = arith.muli %and3A_186, %mul3A_187 : i32
        %add3A_189 = arith.addi %add3A_184, %mul3A_188 : i32
        %shift_right_arithmetic3A_190 = arith.constant 3 : i32
        %shift_right_arithmetic3A_191 = arith.shrsi %shift_right_arithmetic3A_175, %shift_right_arithmetic3A_190 : i32
        %mul3A_192 = arith.constant 2048 : i32
        %mul3A_193 = arith.muli %shift_right_arithmetic3A_191, %mul3A_192 : i32
        %shift_right_arithmetic3A_194 = arith.constant 3 : i32
        %shift_right_arithmetic3A_195 = arith.shrsi %and3A_177, %shift_right_arithmetic3A_194 : i32
        %mul3A_196 = arith.constant 1024 : i32
        %mul3A_197 = arith.muli %shift_right_arithmetic3A_195, %mul3A_196 : i32
        %add3A_198 = arith.addi %mul3A_193, %mul3A_197 : i32
        %and3A_199 = arith.constant 7 : i32
        %and3A_200 = arith.andi %shift_right_arithmetic3A_175, %and3A_199 : i32
        %mul3A_201 = arith.constant 128 : i32
        %mul3A_202 = arith.muli %and3A_200, %mul3A_201 : i32
        %add3A_203 = arith.addi %add3A_198, %mul3A_202 : i32
        %and3A_204 = arith.constant 7 : i32
        %and3A_205 = arith.andi %and3A_177, %and3A_204 : i32
        %mul3A_206 = arith.constant 16 : i32
        %mul3A_207 = arith.muli %and3A_205, %mul3A_206 : i32
        %add3A_208 = arith.addi %add3A_203, %mul3A_207 : i32
        %mul3A_209 = arith.constant 16 : i32
        %mul3A_210 = arith.muli %and3A_177, %mul3A_209 : i32
        %convert_element_type3A_211 = arith.sitofp %mul3A_210 : i32 to f32
        %broadcast_in_dim3A_212 = vector.broadcast %convert_element_type3A_211 : f32 to vector<16xf32>
        %add3A_213 = arith.addi %select_n3A_158, %shift_right_arithmetic3A_175 : i32
        %convert_element_type3A_214 = arith.sitofp %add3A_213 : i32 to f32
        %broadcast_in_dim3A_215 = vector.broadcast %convert_element_type3A_214 : f32 to vector<16xf32>
        %add3A_216 = arith.constant 0 : i32
        %add3A_217 = arith.addi %add3A_189, %add3A_216 : i32
        %get3A = arith.index_cast %add3A_217 : i32 to index
        %get3A_218 = tpu.vector_load %arg8[%get3A] {strides = array<i32>} : memref<8192xf32, #tpu.memory_space<vmem>>, vector<16xf32>,
        %add3A_219 = arith.constant 16 : i32
        %add3A_220 = arith.addi %add3A_189, %add3A_219 : i32
        %get3A_221 = arith.index_cast %add3A_220 : i32 to index
        %get3A_222 = tpu.vector_load %arg8[%get3A_221] {strides = array<i32>} : memref<8192xf32, #tpu.memory_space<vmem>>, vector<16xf32>,
        %add3A_223 = arith.constant 32 : i32
        %add3A_224 = arith.addi %add3A_189, %add3A_223 : i32
        %get3A_225 = arith.index_cast %add3A_224 : i32 to index
        %get3A_226 = tpu.vector_load %arg8[%get3A_225] {strides = array<i32>} : memref<8192xf32, #tpu.memory_space<vmem>>, vector<16xf32>,
        %add3A_227 = arith.constant 48 : i32
        %add3A_228 = arith.addi %add3A_189, %add3A_227 : i32
        %get3A_229 = arith.index_cast %add3A_228 : i32 to index
        %get3A_230 = tpu.vector_load %arg8[%get3A_229] {strides = array<i32>} : memref<8192xf32, #tpu.memory_space<vmem>>, vector<16xf32>,
        %add3A_231 = arith.constant 0 : i32
        %add3A_232 = arith.addi %add3A_189, %add3A_231 : i32
        %add3A_233 = arith.constant 128 : i32
        %add3A_234 = arith.addi %add3A_232, %add3A_233 : i32
        %get3A_235 = arith.index_cast %add3A_234 : i32 to index
        %get3A_236 = tpu.vector_load %arg8[%get3A_235] {strides = array<i32>} : memref<8192xf32, #tpu.memory_space<vmem>>, vector<16xf32>,
        %add3A_237 = arith.constant 16 : i32
        %add3A_238 = arith.addi %add3A_189, %add3A_237 : i32
        %add3A_239 = arith.constant 128 : i32
        %add3A_240 = arith.addi %add3A_238, %add3A_239 : i32
        %get3A_241 = arith.index_cast %add3A_240 : i32 to index
        %get3A_242 = tpu.vector_load %arg8[%get3A_241] {strides = array<i32>} : memref<8192xf32, #tpu.memory_space<vmem>>, vector<16xf32>,
        %add3A_243 = arith.constant 32 : i32
        %add3A_244 = arith.addi %add3A_189, %add3A_243 : i32
        %add3A_245 = arith.constant 128 : i32
        %add3A_246 = arith.addi %add3A_244, %add3A_245 : i32
        %get3A_247 = arith.index_cast %add3A_246 : i32 to index
        %get3A_248 = tpu.vector_load %arg8[%get3A_247] {strides = array<i32>} : memref<8192xf32, #tpu.memory_space<vmem>>, vector<16xf32>,
        %add3A_249 = arith.constant 48 : i32
        %add3A_250 = arith.addi %add3A_189, %add3A_249 : i32
        %add3A_251 = arith.constant 128 : i32
        %add3A_252 = arith.addi %add3A_250, %add3A_251 : i32
        %get3A_253 = arith.index_cast %add3A_252 : i32 to index
        %get3A_254 = tpu.vector_load %arg8[%get3A_253] {strides = array<i32>} : memref<8192xf32, #tpu.memory_space<vmem>>, vector<16xf32>,
        %add3A_255 = arith.addf %add3A_22, %broadcast_in_dim3A_212 : vector<16xf32>
        %add3A_256 = arith.addf %add3A_25, %broadcast_in_dim3A_212 : vector<16xf32>
        %add3A_257 = arith.addf %add3A_28, %broadcast_in_dim3A_212 : vector<16xf32>
        %add3A_258 = arith.addf %add3A_31, %broadcast_in_dim3A_212 : vector<16xf32>
        %add3A_259 = arith.addf %get3A_218, %add3A_255 : vector<16xf32>
        %add3A_260 = arith.addf %get3A_222, %add3A_256 : vector<16xf32>
        %add3A_261 = arith.addf %get3A_226, %add3A_257 : vector<16xf32>
        %add3A_262 = arith.addf %get3A_230, %add3A_258 : vector<16xf32>
        %add3A_263 = arith.addf %get3A_236, %broadcast_in_dim3A_215 : vector<16xf32>
        %add3A_264 = arith.addf %get3A_242, %broadcast_in_dim3A_215 : vector<16xf32>
        %add3A_265 = arith.addf %get3A_248, %broadcast_in_dim3A_215 : vector<16xf32>
        %add3A_266 = arith.addf %get3A_254, %broadcast_in_dim3A_215 : vector<16xf32>
        %convert_element_type3A_267 = arith.fptosi %add3A_259 : vector<16xf32> to vector<16xi32>
        %convert_element_type3A_268 = arith.fptosi %add3A_260 : vector<16xf32> to vector<16xi32>
        %convert_element_type3A_269 = arith.fptosi %add3A_261 : vector<16xf32> to vector<16xi32>
        %convert_element_type3A_270 = arith.fptosi %add3A_262 : vector<16xf32> to vector<16xi32>
        %convert_element_type3A_271 = arith.fptosi %add3A_263 : vector<16xf32> to vector<16xi32>
        %convert_element_type3A_272 = arith.fptosi %add3A_264 : vector<16xf32> to vector<16xi32>
        %convert_element_type3A_273 = arith.fptosi %add3A_265 : vector<16xf32> to vector<16xi32>
        %convert_element_type3A_274 = arith.fptosi %add3A_266 : vector<16xf32> to vector<16xi32>
        %lt3A_275 = arith.constant 0.000000e+00 : f32
        %lt3A_276 = vector.broadcast %lt3A_275 : f32 to vector<16xf32>
        %lt3A_277 = arith.cmpf olt, %add3A_259, %lt3A_276 : vector<16xf32>
        %sub3A_278 = arith.constant 1 : i32
        %sub3A_279 = vector.broadcast %sub3A_278 : i32 to vector<16xi32>
        %sub3A_280 = arith.subi %convert_element_type3A_267, %sub3A_279 : vector<16xi32>
        %select_n3A_281 = arith.select %lt3A_277, %sub3A_280, %convert_element_type3A_267 : vector<16xi1>, vector<16xi32>
        %lt3A_282 = arith.constant 0.000000e+00 : f32
        %lt3A_283 = vector.broadcast %lt3A_282 : f32 to vector<16xf32>
        %lt3A_284 = arith.cmpf olt, %add3A_260, %lt3A_283 : vector<16xf32>
        %sub3A_285 = arith.constant 1 : i32
        %sub3A_286 = vector.broadcast %sub3A_285 : i32 to vector<16xi32>
        %sub3A_287 = arith.subi %convert_element_type3A_268, %sub3A_286 : vector<16xi32>
        %select_n3A_288 = arith.select %lt3A_284, %sub3A_287, %convert_element_type3A_268 : vector<16xi1>, vector<16xi32>
        %lt3A_289 = arith.constant 0.000000e+00 : f32
        %lt3A_290 = vector.broadcast %lt3A_289 : f32 to vector<16xf32>
        %lt3A_291 = arith.cmpf olt, %add3A_261, %lt3A_290 : vector<16xf32>
        %sub3A_292 = arith.constant 1 : i32
        %sub3A_293 = vector.broadcast %sub3A_292 : i32 to vector<16xi32>
        %sub3A_294 = arith.subi %convert_element_type3A_269, %sub3A_293 : vector<16xi32>
        %select_n3A_295 = arith.select %lt3A_291, %sub3A_294, %convert_element_type3A_269 : vector<16xi1>, vector<16xi32>
        %lt3A_296 = arith.constant 0.000000e+00 : f32
        %lt3A_297 = vector.broadcast %lt3A_296 : f32 to vector<16xf32>
        %lt3A_298 = arith.cmpf olt, %add3A_262, %lt3A_297 : vector<16xf32>
        %sub3A_299 = arith.constant 1 : i32
        %sub3A_300 = vector.broadcast %sub3A_299 : i32 to vector<16xi32>
        %sub3A_301 = arith.subi %convert_element_type3A_270, %sub3A_300 : vector<16xi32>
        %select_n3A_302 = arith.select %lt3A_298, %sub3A_301, %convert_element_type3A_270 : vector<16xi1>, vector<16xi32>
        %lt3A_303 = arith.constant 0.000000e+00 : f32
        %lt3A_304 = vector.broadcast %lt3A_303 : f32 to vector<16xf32>
        %lt3A_305 = arith.cmpf olt, %add3A_263, %lt3A_304 : vector<16xf32>
        %sub3A_306 = arith.constant 1 : i32
        %sub3A_307 = vector.broadcast %sub3A_306 : i32 to vector<16xi32>
        %sub3A_308 = arith.subi %convert_element_type3A_271, %sub3A_307 : vector<16xi32>
        %select_n3A_309 = arith.select %lt3A_305, %sub3A_308, %convert_element_type3A_271 : vector<16xi1>, vector<16xi32>
        %lt3A_310 = arith.constant 0.000000e+00 : f32
        %lt3A_311 = vector.broadcast %lt3A_310 : f32 to vector<16xf32>
        %lt3A_312 = arith.cmpf olt, %add3A_264, %lt3A_311 : vector<16xf32>
        %sub3A_313 = arith.constant 1 : i32
        %sub3A_314 = vector.broadcast %sub3A_313 : i32 to vector<16xi32>
        %sub3A_315 = arith.subi %convert_element_type3A_272, %sub3A_314 : vector<16xi32>
        %select_n3A_316 = arith.select %lt3A_312, %sub3A_315, %convert_element_type3A_272 : vector<16xi1>, vector<16xi32>
        %lt3A_317 = arith.constant 0.000000e+00 : f32
        %lt3A_318 = vector.broadcast %lt3A_317 : f32 to vector<16xf32>
        %lt3A_319 = arith.cmpf olt, %add3A_265, %lt3A_318 : vector<16xf32>
        %sub3A_320 = arith.constant 1 : i32
        %sub3A_321 = vector.broadcast %sub3A_320 : i32 to vector<16xi32>
        %sub3A_322 = arith.subi %convert_element_type3A_273, %sub3A_321 : vector<16xi32>
        %select_n3A_323 = arith.select %lt3A_319, %sub3A_322, %convert_element_type3A_273 : vector<16xi1>, vector<16xi32>
        %lt3A_324 = arith.constant 0.000000e+00 : f32
        %lt3A_325 = vector.broadcast %lt3A_324 : f32 to vector<16xf32>
        %lt3A_326 = arith.cmpf olt, %add3A_266, %lt3A_325 : vector<16xf32>
        %sub3A_327 = arith.constant 1 : i32
        %sub3A_328 = vector.broadcast %sub3A_327 : i32 to vector<16xi32>
        %sub3A_329 = arith.subi %convert_element_type3A_274, %sub3A_328 : vector<16xi32>
        %select_n3A_330 = arith.select %lt3A_326, %sub3A_329, %convert_element_type3A_274 : vector<16xi1>, vector<16xi32>
        %convert_element_type3A_331 = arith.sitofp %select_n3A_281 : vector<16xi32> to vector<16xf32>
        %sub3A_332 = arith.subf %add3A_259, %convert_element_type3A_331 : vector<16xf32>
        %convert_element_type3A_333 = arith.sitofp %select_n3A_288 : vector<16xi32> to vector<16xf32>
        %sub3A_334 = arith.subf %add3A_260, %convert_element_type3A_333 : vector<16xf32>
        %convert_element_type3A_335 = arith.sitofp %select_n3A_295 : vector<16xi32> to vector<16xf32>
        %sub3A_336 = arith.subf %add3A_261, %convert_element_type3A_335 : vector<16xf32>
        %convert_element_type3A_337 = arith.sitofp %select_n3A_302 : vector<16xi32> to vector<16xf32>
        %sub3A_338 = arith.subf %add3A_262, %convert_element_type3A_337 : vector<16xf32>
        %convert_element_type3A_339 = arith.sitofp %select_n3A_309 : vector<16xi32> to vector<16xf32>
        %sub3A_340 = arith.subf %add3A_263, %convert_element_type3A_339 : vector<16xf32>
        %convert_element_type3A_341 = arith.sitofp %select_n3A_316 : vector<16xi32> to vector<16xf32>
        %sub3A_342 = arith.subf %add3A_264, %convert_element_type3A_341 : vector<16xf32>
        %convert_element_type3A_343 = arith.sitofp %select_n3A_323 : vector<16xi32> to vector<16xf32>
        %sub3A_344 = arith.subf %add3A_265, %convert_element_type3A_343 : vector<16xf32>
        %convert_element_type3A_345 = arith.sitofp %select_n3A_330 : vector<16xi32> to vector<16xf32>
        %sub3A_346 = arith.subf %add3A_266, %convert_element_type3A_345 : vector<16xf32>
        %max3A = arith.constant -2 : i32
        %max3A_347 = vector.broadcast %max3A : i32 to vector<16xi32>
        %max3A_348 = arith.maxsi %select_n3A_281, %max3A_347 : vector<16xi32>
        %min3A = arith.constant 257 : i32
        %min3A_349 = vector.broadcast %min3A : i32 to vector<16xi32>
        %min3A_350 = arith.minsi %max3A_348, %min3A_349 : vector<16xi32>
        %max3A_351 = arith.constant -2 : i32
        %max3A_352 = vector.broadcast %max3A_351 : i32 to vector<16xi32>
        %max3A_353 = arith.maxsi %select_n3A_288, %max3A_352 : vector<16xi32>
        %min3A_354 = arith.constant 257 : i32
        %min3A_355 = vector.broadcast %min3A_354 : i32 to vector<16xi32>
        %min3A_356 = arith.minsi %max3A_353, %min3A_355 : vector<16xi32>
        %max3A_357 = arith.constant -2 : i32
        %max3A_358 = vector.broadcast %max3A_357 : i32 to vector<16xi32>
        %max3A_359 = arith.maxsi %select_n3A_295, %max3A_358 : vector<16xi32>
        %min3A_360 = arith.constant 257 : i32
        %min3A_361 = vector.broadcast %min3A_360 : i32 to vector<16xi32>
        %min3A_362 = arith.minsi %max3A_359, %min3A_361 : vector<16xi32>
        %max3A_363 = arith.constant -2 : i32
        %max3A_364 = vector.broadcast %max3A_363 : i32 to vector<16xi32>
        %max3A_365 = arith.maxsi %select_n3A_302, %max3A_364 : vector<16xi32>
        %min3A_366 = arith.constant 257 : i32
        %min3A_367 = vector.broadcast %min3A_366 : i32 to vector<16xi32>
        %min3A_368 = arith.minsi %max3A_365, %min3A_367 : vector<16xi32>
        %max3A_369 = arith.constant -2 : i32
        %max3A_370 = vector.broadcast %max3A_369 : i32 to vector<16xi32>
        %max3A_371 = arith.maxsi %select_n3A_309, %max3A_370 : vector<16xi32>
        %min3A_372 = arith.constant 257 : i32
        %min3A_373 = vector.broadcast %min3A_372 : i32 to vector<16xi32>
        %min3A_374 = arith.minsi %max3A_371, %min3A_373 : vector<16xi32>
        %max3A_375 = arith.constant -2 : i32
        %max3A_376 = vector.broadcast %max3A_375 : i32 to vector<16xi32>
        %max3A_377 = arith.maxsi %select_n3A_316, %max3A_376 : vector<16xi32>
        %min3A_378 = arith.constant 257 : i32
        %min3A_379 = vector.broadcast %min3A_378 : i32 to vector<16xi32>
        %min3A_380 = arith.minsi %max3A_377, %min3A_379 : vector<16xi32>
        %max3A_381 = arith.constant -2 : i32
        %max3A_382 = vector.broadcast %max3A_381 : i32 to vector<16xi32>
        %max3A_383 = arith.maxsi %select_n3A_323, %max3A_382 : vector<16xi32>
        %min3A_384 = arith.constant 257 : i32
        %min3A_385 = vector.broadcast %min3A_384 : i32 to vector<16xi32>
        %min3A_386 = arith.minsi %max3A_383, %min3A_385 : vector<16xi32>
        %max3A_387 = arith.constant -2 : i32
        %max3A_388 = vector.broadcast %max3A_387 : i32 to vector<16xi32>
        %max3A_389 = arith.maxsi %select_n3A_330, %max3A_388 : vector<16xi32>
        %min3A_390 = arith.constant 257 : i32
        %min3A_391 = vector.broadcast %min3A_390 : i32 to vector<16xi32>
        %min3A_392 = arith.minsi %max3A_389, %min3A_391 : vector<16xi32>
        %mul3A_393 = arith.constant 264 : i32
        %mul3A_394 = vector.broadcast %mul3A_393 : i32 to vector<16xi32>
        %mul3A_395 = arith.muli %min3A_374, %mul3A_394 : vector<16xi32>
        %add3A_396 = arith.constant 536 : i32
        %add3A_397 = vector.broadcast %add3A_396 : i32 to vector<16xi32>
        %add3A_398 = arith.addi %min3A_350, %add3A_397 : vector<16xi32>
        %add3A_399 = arith.addi %mul3A_395, %add3A_398 : vector<16xi32>
        %mul3A_400 = arith.constant 264 : i32
        %mul3A_401 = vector.broadcast %mul3A_400 : i32 to vector<16xi32>
        %mul3A_402 = arith.muli %min3A_380, %mul3A_401 : vector<16xi32>
        %add3A_403 = arith.constant 536 : i32
        %add3A_404 = vector.broadcast %add3A_403 : i32 to vector<16xi32>
        %add3A_405 = arith.addi %min3A_356, %add3A_404 : vector<16xi32>
        %add3A_406 = arith.addi %mul3A_402, %add3A_405 : vector<16xi32>
        %mul3A_407 = arith.constant 264 : i32
        %mul3A_408 = vector.broadcast %mul3A_407 : i32 to vector<16xi32>
        %mul3A_409 = arith.muli %min3A_386, %mul3A_408 : vector<16xi32>
        %add3A_410 = arith.constant 536 : i32
        %add3A_411 = vector.broadcast %add3A_410 : i32 to vector<16xi32>
        %add3A_412 = arith.addi %min3A_362, %add3A_411 : vector<16xi32>
        %add3A_413 = arith.addi %mul3A_409, %add3A_412 : vector<16xi32>
        %mul3A_414 = arith.constant 264 : i32
        %mul3A_415 = vector.broadcast %mul3A_414 : i32 to vector<16xi32>
        %mul3A_416 = arith.muli %min3A_392, %mul3A_415 : vector<16xi32>
        %add3A_417 = arith.constant 536 : i32
        %add3A_418 = vector.broadcast %add3A_417 : i32 to vector<16xi32>
        %add3A_419 = arith.addi %min3A_368, %add3A_418 : vector<16xi32>
        %add3A_420 = arith.addi %mul3A_416, %add3A_419 : vector<16xi32>
        %add3A_421 = arith.constant 264 : i32
        %add3A_422 = vector.broadcast %add3A_421 : i32 to vector<16xi32>
        %add3A_423 = arith.addi %add3A_399, %add3A_422 : vector<16xi32>
        %add3A_424 = arith.constant 264 : i32
        %add3A_425 = vector.broadcast %add3A_424 : i32 to vector<16xi32>
        %add3A_426 = arith.addi %add3A_406, %add3A_425 : vector<16xi32>
        %add3A_427 = arith.constant 264 : i32
        %add3A_428 = vector.broadcast %add3A_427 : i32 to vector<16xi32>
        %add3A_429 = arith.addi %add3A_413, %add3A_428 : vector<16xi32>
        %add3A_430 = arith.constant 264 : i32
        %add3A_431 = vector.broadcast %add3A_430 : i32 to vector<16xi32>
        %add3A_432 = arith.addi %add3A_420, %add3A_431 : vector<16xi32>
        %gather3A = tpu.vector_load_idx %arg5[%add3A_399] : memref<69184xf32, #tpu.memory_space<vmem>>[vector<16xi32>], vector<16xf32>,
        %gather3A_433 = tpu.vector_load_idx %arg5[%add3A_406] : memref<69184xf32, #tpu.memory_space<vmem>>[vector<16xi32>], vector<16xf32>,
        %gather3A_434 = tpu.vector_load_idx %arg5[%add3A_413] : memref<69184xf32, #tpu.memory_space<vmem>>[vector<16xi32>], vector<16xf32>,
        %gather3A_435 = tpu.vector_load_idx %arg5[%add3A_420] : memref<69184xf32, #tpu.memory_space<vmem>>[vector<16xi32>], vector<16xf32>,
        %add3A_436 = arith.constant 1 : i32
        %add3A_437 = vector.broadcast %add3A_436 : i32 to vector<16xi32>
        %add3A_438 = arith.addi %add3A_399, %add3A_437 : vector<16xi32>
        %gather3A_439 = tpu.vector_load_idx %arg5[%add3A_438] : memref<69184xf32, #tpu.memory_space<vmem>>[vector<16xi32>], vector<16xf32>,
        %add3A_440 = arith.constant 1 : i32
        %add3A_441 = vector.broadcast %add3A_440 : i32 to vector<16xi32>
        %add3A_442 = arith.addi %add3A_406, %add3A_441 : vector<16xi32>
        %gather3A_443 = tpu.vector_load_idx %arg5[%add3A_442] : memref<69184xf32, #tpu.memory_space<vmem>>[vector<16xi32>], vector<16xf32>,
        %add3A_444 = arith.constant 1 : i32
        %add3A_445 = vector.broadcast %add3A_444 : i32 to vector<16xi32>
        %add3A_446 = arith.addi %add3A_413, %add3A_445 : vector<16xi32>
        %gather3A_447 = tpu.vector_load_idx %arg5[%add3A_446] : memref<69184xf32, #tpu.memory_space<vmem>>[vector<16xi32>], vector<16xf32>,
        %add3A_448 = arith.constant 1 : i32
        %add3A_449 = vector.broadcast %add3A_448 : i32 to vector<16xi32>
        %add3A_450 = arith.addi %add3A_420, %add3A_449 : vector<16xi32>
        %gather3A_451 = tpu.vector_load_idx %arg5[%add3A_450] : memref<69184xf32, #tpu.memory_space<vmem>>[vector<16xi32>], vector<16xf32>,
        %gather3A_452 = tpu.vector_load_idx %arg5[%add3A_423] : memref<69184xf32, #tpu.memory_space<vmem>>[vector<16xi32>], vector<16xf32>,
        %gather3A_453 = tpu.vector_load_idx %arg5[%add3A_426] : memref<69184xf32, #tpu.memory_space<vmem>>[vector<16xi32>], vector<16xf32>,
        %gather3A_454 = tpu.vector_load_idx %arg5[%add3A_429] : memref<69184xf32, #tpu.memory_space<vmem>>[vector<16xi32>], vector<16xf32>,
        %gather3A_455 = tpu.vector_load_idx %arg5[%add3A_432] : memref<69184xf32, #tpu.memory_space<vmem>>[vector<16xi32>], vector<16xf32>,
        %add3A_456 = arith.constant 1 : i32
        %add3A_457 = vector.broadcast %add3A_456 : i32 to vector<16xi32>
        %add3A_458 = arith.addi %add3A_423, %add3A_457 : vector<16xi32>
        %gather3A_459 = tpu.vector_load_idx %arg5[%add3A_458] : memref<69184xf32, #tpu.memory_space<vmem>>[vector<16xi32>], vector<16xf32>,
        %add3A_460 = arith.constant 1 : i32
        %add3A_461 = vector.broadcast %add3A_460 : i32 to vector<16xi32>
        %add3A_462 = arith.addi %add3A_426, %add3A_461 : vector<16xi32>
        %gather3A_463 = tpu.vector_load_idx %arg5[%add3A_462] : memref<69184xf32, #tpu.memory_space<vmem>>[vector<16xi32>], vector<16xf32>,
        %add3A_464 = arith.constant 1 : i32
        %add3A_465 = vector.broadcast %add3A_464 : i32 to vector<16xi32>
        %add3A_466 = arith.addi %add3A_429, %add3A_465 : vector<16xi32>
        %gather3A_467 = tpu.vector_load_idx %arg5[%add3A_466] : memref<69184xf32, #tpu.memory_space<vmem>>[vector<16xi32>], vector<16xf32>,
        %add3A_468 = arith.constant 1 : i32
        %add3A_469 = vector.broadcast %add3A_468 : i32 to vector<16xi32>
        %add3A_470 = arith.addi %add3A_432, %add3A_469 : vector<16xi32>
        %gather3A_471 = tpu.vector_load_idx %arg5[%add3A_470] : memref<69184xf32, #tpu.memory_space<vmem>>[vector<16xi32>], vector<16xf32>,
        %sub3A_472 = arith.subf %gather3A_439, %gather3A : vector<16xf32>
        %mul3A_473 = arith.mulf %sub3A_332, %sub3A_472 : vector<16xf32>
        %add3A_474 = arith.addf %gather3A, %mul3A_473 : vector<16xf32>
        %sub3A_475 = arith.subf %gather3A_459, %gather3A_452 : vector<16xf32>
        %mul3A_476 = arith.mulf %sub3A_332, %sub3A_475 : vector<16xf32>
        %add3A_477 = arith.addf %gather3A_452, %mul3A_476 : vector<16xf32>
        %sub3A_478 = arith.subf %add3A_477, %add3A_474 : vector<16xf32>
        %mul3A_479 = arith.mulf %sub3A_340, %sub3A_478 : vector<16xf32>
        %add3A_480 = arith.addf %add3A_474, %mul3A_479 : vector<16xf32>
        %add3A_481 = arith.constant 0 : i32
        %add3A_482 = arith.addi %add3A_208, %add3A_481 : i32
        %swap3A = arith.index_cast %add3A_482 : i32 to index
        %swap3A_483 = tpu.vector_load %arg10[%swap3A] {strides = array<i32>} : memref<4096xf32, #tpu.memory_space<vmem>>, vector<16xf32>,
        tpu.vector_store %arg10[%swap3A], %add3A_480 {strides = array<i32>} : memref<4096xf32, #tpu.memory_space<vmem>>, vector<16xf32>,
        %sub3A_484 = arith.subf %gather3A_443, %gather3A_433 : vector<16xf32>
        %mul3A_485 = arith.mulf %sub3A_334, %sub3A_484 : vector<16xf32>
        %add3A_486 = arith.addf %gather3A_433, %mul3A_485 : vector<16xf32>
        %sub3A_487 = arith.subf %gather3A_463, %gather3A_453 : vector<16xf32>
        %mul3A_488 = arith.mulf %sub3A_334, %sub3A_487 : vector<16xf32>
        %add3A_489 = arith.addf %gather3A_453, %mul3A_488 : vector<16xf32>
        %sub3A_490 = arith.subf %add3A_489, %add3A_486 : vector<16xf32>
        %mul3A_491 = arith.mulf %sub3A_342, %sub3A_490 : vector<16xf32>
        %add3A_492 = arith.addf %add3A_486, %mul3A_491 : vector<16xf32>
        %add3A_493 = arith.constant 16 : i32
        %add3A_494 = arith.addi %add3A_208, %add3A_493 : i32
        %swap3A_495 = arith.index_cast %add3A_494 : i32 to index
        %swap3A_496 = tpu.vector_load %arg10[%swap3A_495] {strides = array<i32>} : memref<4096xf32, #tpu.memory_space<vmem>>, vector<16xf32>,
        tpu.vector_store %arg10[%swap3A_495], %add3A_492 {strides = array<i32>} : memref<4096xf32, #tpu.memory_space<vmem>>, vector<16xf32>,
        %sub3A_497 = arith.subf %gather3A_447, %gather3A_434 : vector<16xf32>
        %mul3A_498 = arith.mulf %sub3A_336, %sub3A_497 : vector<16xf32>
        %add3A_499 = arith.addf %gather3A_434, %mul3A_498 : vector<16xf32>
        %sub3A_500 = arith.subf %gather3A_467, %gather3A_454 : vector<16xf32>
        %mul3A_501 = arith.mulf %sub3A_336, %sub3A_500 : vector<16xf32>
        %add3A_502 = arith.addf %gather3A_454, %mul3A_501 : vector<16xf32>
        %sub3A_503 = arith.subf %add3A_502, %add3A_499 : vector<16xf32>
        %mul3A_504 = arith.mulf %sub3A_344, %sub3A_503 : vector<16xf32>
        %add3A_505 = arith.addf %add3A_499, %mul3A_504 : vector<16xf32>
        %add3A_506 = arith.constant 32 : i32
        %add3A_507 = arith.addi %add3A_208, %add3A_506 : i32
        %swap3A_508 = arith.index_cast %add3A_507 : i32 to index
        %swap3A_509 = tpu.vector_load %arg10[%swap3A_508] {strides = array<i32>} : memref<4096xf32, #tpu.memory_space<vmem>>, vector<16xf32>,
        tpu.vector_store %arg10[%swap3A_508], %add3A_505 {strides = array<i32>} : memref<4096xf32, #tpu.memory_space<vmem>>, vector<16xf32>,
        %sub3A_510 = arith.subf %gather3A_451, %gather3A_435 : vector<16xf32>
        %mul3A_511 = arith.mulf %sub3A_338, %sub3A_510 : vector<16xf32>
        %add3A_512 = arith.addf %gather3A_435, %mul3A_511 : vector<16xf32>
        %sub3A_513 = arith.subf %gather3A_471, %gather3A_455 : vector<16xf32>
        %mul3A_514 = arith.mulf %sub3A_338, %sub3A_513 : vector<16xf32>
        %add3A_515 = arith.addf %gather3A_455, %mul3A_514 : vector<16xf32>
        %sub3A_516 = arith.subf %add3A_515, %add3A_512 : vector<16xf32>
        %mul3A_517 = arith.mulf %sub3A_346, %sub3A_516 : vector<16xf32>
        %add3A_518 = arith.addf %add3A_512, %mul3A_517 : vector<16xf32>
        %add3A_519 = arith.constant 48 : i32
        %add3A_520 = arith.addi %add3A_208, %add3A_519 : i32
        %swap3A_521 = arith.index_cast %add3A_520 : i32 to index
        %swap3A_522 = tpu.vector_load %arg10[%swap3A_521] {strides = array<i32>} : memref<4096xf32, #tpu.memory_space<vmem>>, vector<16xf32>,
        tpu.vector_store %arg10[%swap3A_521], %add3A_518 {strides = array<i32>} : memref<4096xf32, #tpu.memory_space<vmem>>, vector<16xf32>,
        %scan3A_523 = arith.constant 0 : i32
        scf.yield %scan3A_523 : i32
      }
      %scan3A_165 = arith.constant 64 : i32
      %mul3A_166 = arith.constant 256 : i32
      %mul3A_167 = arith.muli %add3A_124, %mul3A_166 : i32
      %dma_start3A_168 = tpu.memref_slice %arg4[%mul3A_167] : memref<13107200xf32, #tpu.memory_space<hbm>> -> memref<4096xf32, #tpu.memory_space<hbm>>
      %dma_start3A_169 = tpu.memref_slice %arg4[%mul3A_167] : memref<13107200xf32, #tpu.memory_space<hbm>> -> memref<4096xf32, #tpu.memory_space<hbm>>
      tpu.enqueue_dma source(%arg10 : memref<4096xf32, #tpu.memory_space<vmem>>) target(%dma_start3A_169 : memref<4096xf32, #tpu.memory_space<hbm>>) target_semaphore(%arg14 : memref<!tpu.dma_semaphore, #tpu.memory_space<semaphore_mem>>)
      %scan3A_170 = arith.constant 0 : i32
      scf.yield %scan3A_170 : i32
    }
    %scan3A_58 = arith.constant 50 : i32
    %add3A_59 = arith.constant 1568 : i32
    %add3A_60 = arith.addi %mul3A_2, %add3A_59 : i32
    %mul3A_61 = arith.constant 256 : i32
    %mul3A_62 = arith.muli %add3A_60, %mul3A_61 : i32
    %dma_wait3A = tpu.memref_slice %arg4[%mul3A_62] : memref<13107200xf32, #tpu.memory_space<hbm>> -> memref<4096xf32, #tpu.memory_space<hbm>>
    %dma_wait3A_63 = tpu.memref_slice %arg4[%mul3A_62] : memref<13107200xf32, #tpu.memory_space<hbm>> -> memref<4096xf32, #tpu.memory_space<hbm>>
    tpu.wait_dma2 semaphore(%arg13 : memref<!tpu.dma_semaphore, #tpu.memory_space<semaphore_mem>>) src(%arg9 : memref<4096xf32, #tpu.memory_space<vmem>>) dst(%dma_wait3A_63 : memref<4096xf32, #tpu.memory_space<hbm>>)
    %add3A_64 = arith.constant 1584 : i32
    %add3A_65 = arith.addi %mul3A_2, %add3A_64 : i32
    %mul3A_66 = arith.constant 256 : i32
    %mul3A_67 = arith.muli %add3A_65, %mul3A_66 : i32
    %dma_wait3A_68 = tpu.memref_slice %arg4[%mul3A_67] : memref<13107200xf32, #tpu.memory_space<hbm>> -> memref<4096xf32, #tpu.memory_space<hbm>>
    %dma_wait3A_69 = tpu.memref_slice %arg4[%mul3A_67] : memref<13107200xf32, #tpu.memory_space<hbm>> -> memref<4096xf32, #tpu.memory_space<hbm>>
    tpu.wait_dma2 semaphore(%arg14 : memref<!tpu.dma_semaphore, #tpu.memory_space<semaphore_mem>>) src(%arg10 : memref<4096xf32, #tpu.memory_space<vmem>>) dst(%dma_wait3A_69 : memref<4096xf32, #tpu.memory_space<hbm>>)
    return
  }
}

</mosaic_0001>

<sc_bundles>
// kernel: _warp_sc.3.cloned.1.call-start
scs
__scs_entry_jumppad:
0x0: {  	(pc) =	sbr.rel $0x88, $3  }
0x1: {  	(tag) =	ssettag $0x0;
	lr =	simm.s32 $0x1  }
0x2: {  	[smem:$0x3F9F] =	sst lr;
	_ =	strace $0xD0000000  }
0x3: {  	_ = 	snop  }
0x4: {  	_ = 	snop  }
0x5: {  	_ = 	snop  }
0x6: {  	_ = 	snop  }
0x7: {  	_ = 	snop  }
__scs_overlays_trampoline_lowered:
0x8: {  	[smem:$0x3FAE] =	sst s0  }
0x9: {  	[smem:$0x3FAF] =	sst s1  }
0xa: {  	[smem:$0x3FB0] =	sst s2  }
0xb: {  	[smem:$0x3FB1] =	sst s3  }
0xc: {  	[smem:$0x3FB2] =	sst s4  }
0xd: {  	[smem:$0x3FB3] =	sst s5  }
0xe: {  	[smem:$0x3FB4] =	sst s6  }
0xf: {  	[smem:$0x3FB5] =	sst s7  }
0x10: {  	[smem:$0x3FB6] =	sst s8  }
0x11: {  	[smem:$0x3FB7] =	sst s9;
	s0 =	simm.s32 @!p0 $0x0  }
0x12: {  	s1 =	sld [smem:$0x3F9D];
	s0 =	simm.s32 @p0 $0x1  }
0x13: {  	[smem:$0x3FB8] =	sst s0;
	s0 =	simm.s32 @!p1 $0x0  }
0x14: {  	s2 =	sld [smem:$0x3F9C];
	s0 =	simm.s32 @p1 $0x1  }
0x15: {  	[smem:$0x3FB9] =	sst s0;
	s0 =	simm.s32 @!p2 $0x0  }
0x16: {  	s3 =	sld [smem:$0x3FDB];
	s0 =	simm.s32 @p2 $0x1  }
0x17: {  	s4 =	simm.s32 $0x1BF5;
	[smem:$0x3FBB] =	sst s0  }
0x18: {  	s0 =	sld [smem:$0x3F9E];
	_ =	swait.ge [sflag:s4], $0x0  }
0x19: {  	s7 =	sld [smem:$0x3F9F]  }
0x1a: {  	s8 =	sadd.s32 $0xFFFFE003, lr  }
0x1b: {  	s9 =	sadd.s32 $0xFFFFFEF7, lr;
	s5 =	simm.s32 $0xFFFFFFFF;
	p2 =	slt.u32 s8, $0xFFFFF086  }
0x1c: {  	p1 =	slt.u32 s9, $0xF7A;
	s5 =	simm.s32 @!p2 $0x0  }
0x1d: {  	s5 =	simm.s32 @p1 $0x1;
	p0 =	seq.s32 s7, s2  }
0x1e: {  	s7 =	smul.u32 @!p0 $0xF7A, s2;
	p2 =	seq.s32 @!p0 s5, $0x0  }
0x1f: {  	s9 =	smul.u32 $0xF7A, s1;
	s8 =	simm.s32 @!p0 $0x1BF5;
	p2 =	por !p2, p0  }
0x20: {  	[sflag:s8] =	ssyncset.s32 @!p0 $0xFFFFF086;
	s6 =	sadd.s32 @!p0 s3, s7;
	s7 =	simm.s32 @!p0 $0x108  }
0x21: {  	s3 =	sadd.s32 s3, s9;
	s6 =	sadd.s32 @!p0 $0x88, s6;
	s7 =	simm.s32 @p2 $0x1082  }
0x22: {  	[simem:s7], [sflag:s8] =	dma.local @!p0 [hbm:s6], $0xF7A  }
0x23: {  	s9 =	sor.u32 $0xD0000000, s2;
	s6 =	simm.s32 $0x108;
	_ =	swait.ge @!p0 [sflag:s8], $0x0  }
0x24: {  	s3 =	sadd.s32 $0x88, s3;
	s6 =	simm.s32 @!p1 $0x1082;
	[sflag:s4] =	ssyncset.s32 $0xFFFFF086  }
0x25: {  	[simem:s6], [sflag:s4] =	dma.local [hbm:s3], $0xF7A  }
0x26: {  	[smem:$0x3F9F] =	sst s1;
	(tag) =	ssettag s2;
	_ =	strace s9  }
0x27: {  	s1 =	sld [smem:$0x3FAF]  }
0x28: {  	s2 =	sld [smem:$0x3FB0]  }
0x29: {  	s4 =	sld [smem:$0x3FB2]  }
0x2a: {  	p0 =	seq.s32 s5, $0x0;
	s5 =	sld [smem:$0x3FB3]  }
0x2b: {  	s6 =	sld [smem:$0x3FB4]  }
0x2c: {  	s7 =	sld [smem:$0x3FB5]  }
0x2d: {  	s3 =	simm.s32 $0x108;
	s8 =	sld [smem:$0x3FB6]  }
0x2e: {  	s3 =	simm.s32 @!p0 $0x1082;
	s9 =	sld [smem:$0x3FB7]  }
0x2f: {  	lr =	sadd.s32 s0, s3;
	s0 =	sld [smem:$0x3FAE]  }
0x30: {  	s3 =	sld [smem:$0x3FB1]  }
0x31: {  	[smem:$0x3FBA] =	sst s10  }
0x32: {  	s10 =	sld [smem:$0x3FB8];
	_ =	sdelay $0x3  }
0x33: {  	p0 =	seq.s32 s10, $0x1;
	s10 =	sld [smem:$0x3FBA];
	_ =	sdelay $0x3  }
0x34: {  	[smem:$0x3FBA] =	sst s10  }
0x35: {  	s10 =	sld [smem:$0x3FB9];
	_ =	sdelay $0x3  }
0x36: {  	p1 =	seq.s32 s10, $0x1;
	s10 =	sld [smem:$0x3FBA];
	_ =	sdelay $0x3  }
0x37: {  	[smem:$0x3FBA] =	sst s10  }
0x38: {  	s10 =	sld [smem:$0x3FBB]  }
0x39: {  	_ = 	snop;
	(pc) =	sbr.ind lr, $3  }
0x3a: {  	_ = 	snop  }
0x3b: {  	_ = 	snop  }
0x3c: {  	p2 =	seq.s32 s10, $0x1;
	s10 =	sld [smem:$0x3FBA]  }
0x3d: {  	_ =	shalt  }
0x3e: {  	_ =	shalt  }
0x3f: {  	_ =	shalt  }
0x40: {  	_ =	shalt  }
0x41: {  	_ =	shalt  }
0x42: {  	_ =	shalt  }
0x43: {  	_ =	shalt  }
0x44: {  	_ =	shalt  }
0x45: {  	_ =	shalt  }
0x46: {  	_ =	shalt  }
0x47: {  	_ =	shalt  }
0x48: {  	_ =	shalt  }
0x49: {  	_ =	shalt  }
0x4a: {  	_ =	shalt  }
0x4b: {  	_ =	shalt  }
0x4c: {  	_ =	shalt  }
0x4d: {  	_ =	shalt  }
0x4e: {  	_ =	shalt  }
0x4f: {  	_ =	shalt  }
0x50: {  	_ =	shalt  }
0x51: {  	_ =	shalt  }
0x52: {  	_ =	shalt  }
0x53: {  	_ =	shalt  }
0x54: {  	_ =	shalt  }
0x55: {  	_ =	shalt  }
0x56: {  	_ =	shalt  }
0x57: {  	_ =	shalt  }
0x58: {  	_ =	shalt  }
0x59: {  	_ =	shalt  }
0x5a: {  	_ =	shalt  }
0x5b: {  	_ =	shalt  }
0x5c: {  	_ =	shalt  }
0x5d: {  	_ =	shalt  }
0x5e: {  	_ =	shalt  }
0x5f: {  	_ =	shalt  }
0x60: {  	_ =	shalt  }
0x61: {  	_ =	shalt  }
0x62: {  	_ =	shalt  }
0x63: {  	_ =	shalt  }
0x64: {  	_ =	shalt  }
0x65: {  	_ =	shalt  }
0x66: {  	_ =	shalt  }
0x67: {  	_ =	shalt  }
0x68: {  	_ =	shalt  }
0x69: {  	_ =	shalt  }
0x6a: {  	_ =	shalt  }
0x6b: {  	_ =	shalt  }
0x6c: {  	_ =	shalt  }
0x6d: {  	_ =	shalt  }
0x6e: {  	_ =	shalt  }
0x6f: {  	_ =	shalt  }
0x70: {  	_ =	shalt  }
0x71: {  	_ =	shalt  }
0x72: {  	_ =	shalt  }
0x73: {  	_ =	shalt  }
0x74: {  	_ =	shalt  }
0x75: {  	_ =	shalt  }
0x76: {  	_ =	shalt  }
0x77: {  	_ =	shalt  }
0x78: {  	_ =	shalt  }
0x79: {  	_ =	shalt  }
0x7a: {  	_ =	shalt  }
0x7b: {  	_ =	shalt  }
0x7c: {  	_ =	shalt  }
0x7d: {  	_ =	shalt  }
0x7e: {  	_ =	shalt  }
0x7f: {  	_ =	shalt  }
0x80: {  	_ =	shalt  }
0x81: {  	_ =	shalt  }
0x82: {  	_ =	shalt  }
0x83: {  	_ =	shalt  }
0x84: {  	_ =	shalt  }
0x85: {  	_ =	shalt  }
0x86: {  	_ =	shalt  }
0x87: {  	_ =	shalt  }
.Lfunc_end0:
.L_simem_size_0:
called_computation_lowered:
.L_overlay_start_0:
0x88: {  	s2 =	sld [smem:$0x3FD9]  }
0x89: {  	s3 =	sld [smem:$0x3FFE];
	_ =	sdelay $0x1  }
0x8a: {  	s1 =	srdreg.scid  }
0x8b: {  	s0 =	sand.u32 $0x1, s1  }
0x8c: {  	s18 =	sshll.u32 s0, $0xA;
	s2 =	sadd.s32 s3, s2  }
0x8d: {  	s2 =	sadd.s32 s2, s18  }
0x8e: {  	[smem:$0x3FC6] =	sst s2  }
0x8f: {  	_ = 	snop  }
0x90: {  	s2 =	sld [smem:$0x3FC9]  }
0x91: {  	s19 =	sld [smem:$0x3FC8]  }
0x92: {  	s4 =	sld [smem:$0x3FD0];
	(tm) =	ssettm $0x1  }
0x93: {  	s5 =	sld [smem:$0x3FFB];
	_ =	sdelay $0x3  }
0x94: {  	_ =	strace s5  }
0x95: {  	s5 =	sld [smem:$0x3FFC];
	_ =	sdelay $0x3  }
0x96: {  	_ =	strace s5  }
0x97: {  	s5 =	sld [smem:$0x3FFD];
	_ =	sdelay $0x3  }
0x98: {  	_ =	strace s5  }
0x99: {  	_ =	strace $0x8FFFFFFF  }
0x9a: {  	s20 =	sld [smem:$0x3FDB];
	_ =	sdelay $0x1  }
0x9b: {  	s6 =	simm.s32 $_scs_section_size  }
0x9c: {  	s7 =	simm.s32 $_size__tile_overlayer_lowered;
	s8 =	simm.s32 $_tile_overlayer_lowered  }
0x9d: {  	s23 =	simm.s32 $0x1BFF;
	s22 =	sshll.u32 s8, $0x1;
	s5 =	sadd.s32 s6, s20  }
0x9e: {  	s9 =	simm.s32 $0x0;
	s21 =	sshll.u32 s7, $0x1;
	s7 =	sadd.s32 s22, s5  }
0x9f: {  	[timem:s9], [sflag:s23] =	dma.local [hbm:s7], s21  }
0xa0: {  	_ =	swait.ge [sflag:s23], s21  }
0xa1: {  	s6 =	ssub.s32 $0x0, s21;
	[sflag:s23] =	ssyncset.done $0x0  }
0xa2: {  	[sflag:s23] =	ssyncadd.s32 s6;
	_ =	sdelay $0x1  }
0xa3: {  	s24 =	simm.s32 $0x1B8B  }
0xa4: {  	_ =	swait.ge [sflag:s24], $0x1  }
0xa5: {  	[sflag:s24] =	ssyncset.done $0x0  }
0xa6: {  	s25 =	simm.s32 $0x1B8E;
	[sflag:s24] =	ssyncadd.s32 $0xFFFFFFFF  }
0xa7: {  	s26 =	simm.s32 $execute0_lowered;
	[smem:$0x3FD2] =	sst s25  }
0xa8: {  	s6 =	sshll.u32 s26, $0x1;
	_ =	strace $0x80000046;
	[dreg:$0x1] =	wrdreg $0xFFFFFFFF  }
0xa9: {  	s28 =	simm.s32 $_size_execute0_lowered;
	s5 =	sadd.s32 s5, s6;
	[dreg:$0x0] =	wrdreg $0x0  }
0xaa: {  	s6 =	sshll.u32 s28, $0x1;
	[dreg:$0x2] =	wrdreg s5  }
0xab: {  	[dreg:$0x3] =	wrdreg s6  }
0xac: {  	[dreg:$0x4] =	wrdreg $0xC0  }
0xad: {  	_ =	task [dreg:s9], $0x5FFFF  }
0xae: {  	[dreg:$0x1] =	wrdreg $0xFFFFFFFF  }
0xaf: {  	[dreg:$0x0] =	wrdreg $0x60  }
0xb0: {  	[dreg:$0x2] =	wrdreg s2  }
0xb1: {  	[dreg:$0x3] =	wrdreg s19  }
0xb2: {  	[dreg:$0x4] =	wrdreg s4  }
0xb3: {  	[dreg:$0x5] =	wrdreg $0x9  }
0xb4: {  	_ =	task.clear_ibuf [dreg:s9], $0x6FFFF;
	_ =	strace $0x90000046  }
0xb5: {  	s29 =	simm.s32 $0x9;
	_ =	strace $0x80000048  }
0xb6: {  	_ =	swait.ge [sflag:s29], $0x1  }
0xb7: {  	[sflag:s29] =	ssyncadd.s32 $0xFFFFFFFF  }
0xb8: {  	_ =	strace $0x90000048  }
0xb9: {  	_ =	sfence  }
0xba: {  	s30 =	sld [smem:$0x0];
	_ =	sdelay $0x2  }
0xbb: {  	s31 =	sshll.u32 s1, $0xD;
	s1 =	sshrl.u32 s1, $0x2  }
0xbc: {  	s3 =	sand.u32 $0x4000, s31;
	s1 =	sadd.s32 s1, s30  }
0xbd: {  	s0 =	sor.u32 s3, s0;
	s1 =	sshll.u32 s1, $0x11  }
0xbe: {  	s0 =	sor.u32 s1, s0  }
0xbf: {  	s0 =	sadd.s32 $0x8F2B, s0  }
0xc0: {  	[sflag:s0] =	ssyncadd.remote.s32 $0x1  }
0xc1: {  	_ =	sfence.sel $0xFFFF  }
0xc2: {  	[dreg:$0x0] =	wrdreg $0xFFFFFFFF;
	(pc) =	sbr.abs _section_cstart, $3  }
0xc3: {  	[dreg:$0x1] =	wrdreg $0xFFFFFFFF  }
0xc4: {  	_ =	task.clear_ibuf [dreg:s9], $0x2FFFF;
	_ =	strace $0x9FFFFFFF  }
0xc5: {  	(tm) =	ssettm $0x7FFFFFFF  }
tec
execute0_lowered:
.L_overlay_start_1:
0x0: {  	(tag) =	ssettag $0x1  }
0x1: {  	v0 =	vimm.f32 $1.500000000e+01;
	vm14 =	vcmask $0x300;
	vm13 =	vcmask $0x704  }
0x2: {  	vm12 =	vcmask $0xB08;
	vm11 =	vcmask $0xF0C;
	vm10 =	vcmask $0x1310  }
0x3: {  	vm9 =	vcmask $0x1714;
	vm8 =	vcmask $0x1B18;
	vm7 =	vcmask $0x1F1C  }
0x4: {  	vm6 =	vcmask $0x2320;
	vm5 =	vcmask $0x2724;
	vm4 =	vcmask $0x2B28  }
0x5: {  	vm3 =	vcmask $0x2F2C;
	vm2 =	vcmask $0x3330;
	vm1 =	vcmask $0x3734  }
0x6: {  	vm0 =	vcmask $0x3B38;
	v2 =	vimm.f32 $3.100000000e+01;
	v3 =	vimm.f32 $4.700000000e+01  }
0x7: {  	v4 =	vimm.f32 $6.300000000e+01;
	v5 =	vimm.s32 $0x0;
	v0 =	vsel vm14, $0x0, v0  }
0x8: {  	v2 =	vsel vm14, $0x41800000, v2;
	v3 =	vsel vm14, $0x42000000, v3;
	v4 =	vsel vm14, $0x42400000, v4  }
0x9: {  	v0 =	vsel vm13, $0x3F800000, v0;
	v2 =	vsel vm13, $0x41880000, v2;
	v3 =	vsel vm13, $0x42040000, v3  }
0xa: {  	v4 =	vsel vm13, $0x42440000, v4;
	v0 =	vsel vm12, $0x40000000, v0;
	v2 =	vsel vm12, $0x41900000, v2  }
0xb: {  	v3 =	vsel vm12, $0x42080000, v3;
	v4 =	vsel vm12, $0x42480000, v4;
	v0 =	vsel vm11, $0x40400000, v0  }
0xc: {  	v2 =	vsel vm11, $0x41980000, v2;
	v3 =	vsel vm11, $0x420C0000, v3;
	v4 =	vsel vm11, $0x424C0000, v4  }
0xd: {  	v0 =	vsel vm10, $0x40800000, v0;
	v2 =	vsel vm10, $0x41A00000, v2;
	v3 =	vsel vm10, $0x42100000, v3  }
0xe: {  	s1 =	rddreg [dreg:$0x0];
	v4 =	vsel vm10, $0x42500000, v4;
	v0 =	vsel vm9, $0x40A00000, v0;
	v2 =	vsel vm9, $0x41A80000, v2  }
0xf: {  	s0 =	rddreg [dreg:$0x1];
	v3 =	vsel vm9, $0x42140000, v3;
	v4 =	vsel vm9, $0x42540000, v4;
	v0 =	vsel vm8, $0x40C00000, v0  }
0x10: {  	s2 =	rddreg [dreg:$0x2];
	v2 =	vsel vm8, $0x41B00000, v2;
	v3 =	vsel vm8, $0x42180000, v3;
	v4 =	vsel vm8, $0x42580000, v4  }
0x11: {  	s5 =	srdreg.scid;
	s3 =	stileid.u32;
	v0 =	vsel vm7, $0x40E00000, v0;
	v2 =	vsel vm7, $0x41B80000, v2;
	v3 =	vsel vm7, $0x421C0000, v3  }
0x12: {  	s4 =	simm.s32 $0x0;
	s12 =	simm.s32 $0x5;
	s13 =	simm.s32 $0x14E80;
	v4 =	vsel vm7, $0x425C0000, v4;
	v0 =	vsel vm6, $0x41000000, v0;
	v2 =	vsel vm6, $0x41C00000, v2  }
0x13: {  	s14 =	simm.s32 $0x16E80;
	s15 =	simm.s32 $0x1;
	s16 =	simm.s32 $0x18E80;
	v3 =	vsel vm6, $0x42200000, v3;
	v4 =	vsel vm6, $0x42600000, v4;
	v0 =	vsel vm5, $0x41100000, v0  }
0x14: {  	s17 =	simm.s32 $0x2;
	s18 =	simm.s32 $0x4;
	s19 =	simm.s32 $0x19E80;
	v2 =	vsel vm5, $0x41C80000, v2;
	v3 =	vsel vm5, $0x42240000, v3;
	v4 =	vsel vm5, $0x42640000, v4  }
0x15: {  	s5 =	sand.u32 $0x1, s5;
	s6 =	sshll.u32 s3, $0x1;
	[smem:$0x7FF] =	sst s4;
	v0 =	vsel vm4, $0x41200000, v0;
	v2 =	vsel vm4, $0x41D00000, v2;
	v3 =	vsel vm4, $0x42280000, v3  }
0x16: {  	s10 =	sshll.u32 s3, $0xC;
	s3 =	simm.s32 $0x0;
	s6 =	sor.u32 s5, s6;
	v4 =	vsel vm4, $0x42680000, v4;
	v0 =	vsel vm3, $0x41300000, v0;
	v2 =	vsel vm3, $0x41D80000, v2  }
0x17: {  	_ =	strace $0x80000047;
	s7 =	ssub.s32 $0x2, s5;
	s8 =	smul.u32 $0x19000, s6;
	v3 =	vsel vm3, $0x422C0000, v3;
	v4 =	vsel vm3, $0x426C0000, v4;
	v0 =	vsel vm2, $0x41400000, v0  }
0x18: {  	s29 =	sand.u32 $0xE000, s10;
	s9 =	sshrl.u32 s7, $0x1;
	s5 =	smul.u32 $0xC8000, s6;
	v2 =	vsel vm2, $0x41E00000, v2;
	v3 =	vsel vm2, $0x42300000, v3;
	v4 =	vsel vm2, $0x42700000, v4  }
0x19: {  	s6 =	smul.u32 $0x640, s6;
	s11 =	ssub.s32 s7, s9;
	s30 =	sadd.s32 s0, s8;
	v1 =	vsel vm1, $0x41500000, v0;
	v0 =	vimm.f32 $0.0e+00;
	v2 =	vsel vm1, $0x41E80000, v2  }
0x1a: {  	s7 =	sadd.s32 s1, s29;
	s31 =	smax.u32 s11, $0x1;
	[dreg:$0x4] =	wrdreg s30;
	v3 =	vsel vm1, $0x42340000, v3;
	v4 =	vsel vm1, $0x42740000, v4;
	v1 =	vsel vm0, $0x41600000, v1  }
0x1b: {  	s9 =	sor.u32 $0x4000, s5;
	s11 =	simm.s32 $0x10E80;
	[dreg:$0x5] =	wrdreg s31;
	v2 =	vsel vm0, $0x41F00000, v2;
	v3 =	vsel vm0, $0x42380000, v3;
	v4 =	vsel vm0, $0x42780000, v4  }
.LBB2_1:
0x1c: {  	[dreg:$0x6] =	wrdreg s3;
	s22 =	simm.s32 $0x100;
	s1 =	simm.s32 $0x0  }
.LBB2_2:
0x1d: {  	p0 =	sne.s32 s22, $0x43800;
	[tilespmem:s1+$0x30] =	vst v0;
	s23 =	smov.u32 s22;
	s22 =	sadd.s32 $0x100, s22  }
.Ltmp0:
0x1e: {  	[tilespmem:s1+$0x20] =	vst v0;
	(pc) =	sbr.rel @p0 .LBB2_2-.Ltmp0, $3  }
0x1f: {  	[tilespmem:s1+$0x0] =	vst v0  }
0x20: {  	[tilespmem:s1+$0x10] =	vst v0;
	_ =	sdelay $0x1  }
0x21: {  	s1 =	sshra.s32 s23, $0x2  }
0x22: {  	[tilespmem:s1+$0x30] =	vst v0  }
0x23: {  	[tilespmem:s1+$0x20] =	vst v0  }
0x24: {  	[tilespmem:s1+$0x0] =	vst v0  }
0x25: {  	s22 =	simm.s32 $0x0;
	[tilespmem:s1+$0x10] =	vst v0;
	s23 =	simm.s32 $0x0  }
.LBB2_4:
0x26: {  	s1 =	sshll.u32 s23, $0xB  }
0x27: {  	s24 =	simm.s32 $0x0;
	s25 =	simm.s32 $0x0;
	s1 =	sadd.s32 s1, s7  }
0x28: {  	[tilespmem:s11], [sflag:$0x5] =	stream.linear.gather [hbm4b:s1+s22], $0x4000, $0x38;
	[tilespmem:$0x1AE80] =	vst v63  }
0x29: {  	s24 =	sand.u32 $0x38, s24;
	s1 =	sshll.u32 s23, $0x6;
	_ =	swait.ge [sflag:s12], $0x4000  }
0x2a: {  	s25 =	sand.u32 $0x7, s25;
	s26 =	sor.u32 s1, s24;
	[sflag:s12] =	ssyncset.done $0x0  }
0x2b: {  	s24 =	simm.s32 $0x10EA0;
	s25 =	sor.u32 s25, s26;
	[sflag:s12] =	ssyncadd.s32 $0xFFFFC000  }
0x2c: {  	s25 =	smul.u32 $0x420, s25;
	v6 =	vld [tilespmem:s24+$0xFFFFFFE0];
	_ =	sdelay $0x1  }
0x2d: {  	s21 =	sand.u32 $0x80, s22;
	s25 =	sshra.s32 s25, $0x2  }
0x2e: {  	s28 =	sand.u32 $0x40, s22;
	s25 =	sadd.s32 s21, s25  }
0x2f: {  	s29 =	sadd.s32 s28, s25  }
0x30: {  	[tilespmem:s29+$0x218] =	vst v6  }
0x31: {  	v6 =	vld [tilespmem:s24+$0xFFFFFFF0];
	_ =	sdelay $0x4  }
0x32: {  	[tilespmem:s29+$0x228] =	vst v6  }
0x33: {  	v6 =	vld [tilespmem:s24+$0x0];
	_ =	sdelay $0x4  }
0x34: {  	[tilespmem:s29+$0x238] =	vst v6  }
0x35: {  	v6 =	vld [tilespmem:s24+$0x10]  }
0x36: {  	s31 =	simm.s32 $0x0;
	s30 =	simm.s32 $0x2  }
0x37: {  	s26 =	simm.s32 $0x0;
	s28 =	simm.s32 $0x1;
	s25 =	simm.s32 $0x0  }
.LBB2_5:
0x38: {  	p0 =	sne.s32 s30, $0xFF;
	s28 =	sshrl.u32 s28, $0x1;
	s31 =	sand.u32 $0x38, s31  }
0x39: {  	s3 =	sand.u32 $0x7, s28;
	s31 =	sor.u32 s1, s31;
	s28 =	smov.u32 s30  }
0x3a: {  	s24 =	sadd.s32 $0x40, s24;
	s3 =	sor.u32 s3, s31;
	[tilespmem:s29+$0x248] =	vst v6  }
0x3b: {  	v6 =	vld [tilespmem:s24+$0xFFFFFFE0];
	s3 =	smul.u32 $0x420, s3  }
0x3c: {  	s26 =	sadd.s32 $0x8, s26  }
0x3d: {  	s25 =	sadd.s32 $0x40, s25;
	s29 =	sand.u32 $0x80, s26;
	s3 =	sshra.s32 s3, $0x2  }
0x3e: {  	s31 =	sand.u32 $0x40, s25;
	s3 =	sadd.s32 s29, s3  }
0x3f: {  	s29 =	sadd.s32 s31, s3  }
0x40: {  	[tilespmem:s29+$0x218] =	vst v6  }
0x41: {  	v6 =	vld [tilespmem:s24+$0xFFFFFFF0];
	_ =	sdelay $0x4  }
0x42: {  	[tilespmem:s29+$0x228] =	vst v6  }
0x43: {  	v6 =	vld [tilespmem:s24+$0x0];
	_ =	sdelay $0x3  }
.Ltmp1:
0x44: {  	(pc) =	sbr.rel @p0 .LBB2_5-.Ltmp1, $3  }
0x45: {  	[tilespmem:s29+$0x238] =	vst v6  }
0x46: {  	v6 =	vld [tilespmem:s24+$0x10];
	_ =	sdelay $0x1  }
0x47: {  	s30 =	sadd.s32 $0x1, s30;
	s31 =	sshrl.u32 s28, $0x2  }
0x48: {  	s3 =	sshrl.u32 s28, $0x1;
	s21 =	sand.u32 $0x38, s31  }
0x49: {  	s3 =	sand.u32 $0x7, s3;
	s1 =	sor.u32 s1, s21  }
0x4a: {  	s30 =	sadd.s32 $0x40, s24;
	s1 =	sor.u32 s3, s1;
	[tilespmem:s29+$0x248] =	vst v6  }
0x4b: {  	v6 =	vld [tilespmem:s30+$0xFFFFFFE0];
	s1 =	smul.u32 $0x420, s1  }
0x4c: {  	s31 =	sadd.s32 $0x8, s26  }
0x4d: {  	s25 =	sadd.s32 $0x40, s25;
	s24 =	sand.u32 $0x80, s31;
	s1 =	sshra.s32 s1, $0x2  }
0x4e: {  	s25 =	sand.u32 $0x40, s25;
	s1 =	sadd.s32 s24, s1  }
0x4f: {  	s1 =	sadd.s32 s25, s1  }
0x50: {  	[tilespmem:s1+$0x218] =	vst v6  }
0x51: {  	v6 =	vld [tilespmem:s30+$0xFFFFFFF0];
	_ =	sdelay $0x4  }
0x52: {  	[tilespmem:s1+$0x228] =	vst v6  }
0x53: {  	v6 =	vld [tilespmem:s30+$0x0];
	_ =	sdelay $0x4  }
0x54: {  	s23 =	sadd.s32 $0x1, s23;
	[tilespmem:s1+$0x238] =	vst v6  }
0x55: {  	p0 =	sne.s32 s23, $0x4;
	v6 =	vld [tilespmem:s30+$0x10]  }
.Ltmp2:
0x56: {  	_ = 	snop;
	(pc) =	sbr.rel @p0 .LBB2_4-.Ltmp2, $2  }
0x57: {  	_ =	sdelay $0x2  }
0x58: {  	[tilespmem:s1+$0x248] =	vst v6  }
0x59: {  	s22 =	simm.s32 $0x0;
	s1 =	rddreg [dreg:$0x4];
	s23 =	simm.s32 $0x0  }
0x5a: {  	[tilespmem:s13], [sflag:$0x1] =	stream.linear.gather [hbm4b:s1+s22], $0x2000, $0x38;
	[tilespmem:$0x1AE80] =	vst v63  }
.LBB2_8:
0x5b: {  	s24 =	sshllo.u32 s23, $0x1  }
0x5c: {  	s1 =	sshll.u32 s24, $0xD  }
0x5d: {  	s1 =	sadd.s32 s5, s1  }
0x5e: {  	s1 =	sshrl.u32 s1, $0x3  }
0x5f: {  	s1 =	sadd.s32 s0, s1  }
0x60: {  	[tilespmem:s14], [sflag:$0x2] =	stream.linear.gather [hbm4b:s1+s4], $0x2000, $0x38;
	[tilespmem:$0x1AE80] =	vst v63  }
0x61: {  	p0 =	seq.s32 s23, $0x0;
	_ =	swait.ge [sflag:s15], $0x2000  }
0x62: {  	s8 =	simm.s32 $0x0;
	s25 =	simm.s32 $0x0;
	[sflag:s15] =	ssyncset.done $0x0  }
0x63: {  	s3 =	simm.s32 @!p0 $0x3;
	s29 =	sand.u32 $0x400, s8;
	[sflag:s15] =	ssyncadd.s32 $0xFFFFE000  }
0x64: {  	s10 =	sand.u32 $0x3FFFFE00, s25;
	s20 =	sshrl.u32 s29, $0x2;
	_ =	swait.ge @!p0 [sflag:s3], $0x1000  }
0x65: {  	s28 =	sand.u32 $0x40, s22;
	s1 =	sor.u32 s20, s10;
	[sflag:s3] =	ssyncset.done @!p0 $0x0  }
0x66: {  	s1 =	sor.u32 s28, s1;
	[sflag:s3] =	ssyncadd.s32 @!p0 $0xFFFFF000  }
0x67: {  	s21 =	sadd.s32 $0x14E80, s1;
	v6 =	vld [tilespmem:s1+$0x14E80]  }
0x68: {  	v9 =	vld [tilespmem:s21+$0x90]  }
0x69: {  	s8 =	sand.u32 $0xC, s22;
	v7 =	vld [tilespmem:s21+$0x20]  }
0x6a: {  	s10 =	sshll.u32 s23, $0x5;
	s1 =	sshll.u32 s8, $0x4;
	v8 =	vld [tilespmem:s21+$0x80]  }
0x6b: {  	s25 =	sadd.s32 s6, s10;
	v11 =	vld [tilespmem:s21+$0xB0];
	s1 =	scvt.s32.f32 s1  }
0x6c: {  	s30 =	simm.s32 $0x0;
	s26 =	sand.u32 $0xE0, s25;
	v12 =	vld [tilespmem:s21+$0x10]  }
0x6d: {  	s30 =	sor.u32 s26, s30;
	v21 =	vld [tilespmem:s21+$0xA0];
	v10 =	vadd.f32 s1, v3;
	v13 =	vadd.f32 s1, v1  }
0x6e: {  	s30 =	scvt.s32.f32 s30;
	v14 =	vadd.f32 s1, v4;
	v15 =	vadd.f32 s1, v2  }
0x6f: {  	v7 =	vadd.f32 v7, v10;
	v10 =	vadd.f32 v6, v13  }
0x70: {  	v8 =	vadd.f32 s30, v8;
	v9 =	vadd.f32 s30, v9  }
0x71: {  	v6 =	vadd.f32 s30, v11;
	v11 =	vadd.f32 v12, v15  }
0x72: {  	v35 =	vadd.f32 s30, v21;
	v13 =	vtrunc.f32 v7;
	v16 =	vtrunc.f32 v10  }
0x73: {  	vm2 =	vlt.f32 v10, $0.0e+00;
	vm0 =	vlt.f32 v7, $0.0e+00;
	vm1 =	vlt.f32 v6, $0.0e+00  }
0x74: {  	v15 =	vtrunc.f32 v9;
	v17 =	vtrunc.f32 v6;
	vm10 =	vlt.f32 v9, $0.0e+00  }
0x75: {  	vm4 =	vlt.f32 v8, $0.0e+00;
	vm11 =	vlt.f32 v11, $0.0e+00;
	vm8 =	vlt.f32 v35, $0.0e+00  }
0x76: {  	v12 =	vcvt.f32.s32 v16;
	v13 =	vcvt.f32.s32 v13;
	v16 =	vsel vm2, $0xFFFFFFFF, v5  }
0x77: {  	v15 =	vcvt.f32.s32 v15;
	v17 =	vcvt.f32.s32 v17;
	v23 =	vsel vm11, $0xFFFFFFFF, v5  }
0x78: {  	v24 =	vsel vm1, $0xFFFFFFFF, v5;
	v25 =	vsel vm8, $0xFFFFFFFF, v5;
	v33 =	vsel vm0, $0xFFFFFFFF, v5  }
0x79: {  	v18 =	vadd.s32 v12, v16;
	v12 =	vtrunc.f32 v8;
	v16 =	vsel vm10, $0xFFFFFFFF, v5  }
0x7a: {  	v20 =	vld [tilespmem:s21+$0x30];
	v29 =	vadd.s32 v17, v24;
	v13 =	vadd.s32 v13, v33;
	vm3 =	vgt.s32 v18, $0xFFFFFFFE  }
0x7b: {  	v22 =	vadd.s32 v15, v16;
	v16 =	vtrunc.f32 v11;
	v19 =	vnsel vm3, $0xFFFFFFFE, v18  }
0x7c: {  	v12 =	vcvt.f32.s32 v12;
	v16 =	vcvt.f32.s32 v16;
	vm3 =	vlt.s32 v19, $0x101  }
0x7d: {  	vm10 =	vgt.s32 v29, $0xFFFFFFFE;
	v15 =	vnsel vm3, $0x101, v19;
	v19 =	vsel vm4, $0xFFFFFFFF, v5  }
0x7e: {  	vm12 =	vgt.s32 v22, $0xFFFFFFFE;
	v16 =	vadd.s32 v16, v23;
	v26 =	vadd.s32 v12, v19  }
0x7f: {  	v19 =	vnsel vm12, $0xFFFFFFFE, v22;
	v12 =	vadd.f32 v20, v14;
	vm14 =	vgt.s32 v16, $0xFFFFFFFE  }
0x80: {  	vm13 =	vgt.s32 v26, $0xFFFFFFFE;
	vm3 =	vlt.s32 v19, $0x101;
	v20 =	vnsel vm14, $0xFFFFFFFE, v16  }
0x81: {  	v14 =	vnsel vm13, $0xFFFFFFFE, v26;
	v19 =	vnsel vm3, $0x101, v19;
	vm7 =	vlt.f32 v12, $0.0e+00  }
0x82: {  	vm2 =	vlt.s32 v20, $0x101;
	vm15 =	vlt.s32 v14, $0x101;
	v19 =	vmul.u32 $0x108, v19  }
0x83: {  	v23 =	vtrunc.f32 v12;
	v20 =	vnsel vm2, $0x101, v20;
	v14 =	vnsel vm15, $0x101, v14  }
0x84: {  	v23 =	vcvt.f32.s32 v23;
	v14 =	vmul.u32 $0x108, v14;
	v17 =	vadd.s32 v19, v20  }
0x85: {  	v24 =	vnsel vm10, $0xFFFFFFFE, v29;
	v21 =	vsel vm7, $0xFFFFFFFF, v5;
	v19 =	vadd.s32 $0x218, v17  }
0x86: {  	v14 =	vadd.s32 v14, v15;
	v15 =	vadd.s32 $0x320, v17;
	v17 =	vadd.s32 v23, v21  }
0x87: {  	vm11 =	vlt.s32 v24, $0x101;
	v21 =	vadd.s32 $0x1, v19;
	vm9 =	vgt.s32 v17, $0xFFFFFFFE  }
0x88: {  	v24 =	vnsel vm11, $0x101, v24;
	vm12 =	vgt.s32 v13, $0xFFFFFFFE;
	v23 =	vnsel vm9, $0xFFFFFFFE, v17  }
0x89: {  	v31 =	vadd.s32 $0x109, v19;
	v20 =	vadd.s32 $0x218, v14;
	vm1 =	vlt.s32 v23, $0x101  }
0x8a: {  	v28 =	vadd.s32 $0x320, v14;
	v14 =	vtrunc.f32 v35;
	v27 =	vnsel vm1, $0x101, v23  }
0x8b: {  	v23 =	vcvt.f32.s32 v14;
	v14 =	vcvt.s32.f32 v17;
	v17 =	vmul.u32 $0x108, v24;
	v19 =	vld.idx.msk [tilespmem:v19+s4+$0x0], $0xffff  }
0x8c: {  	v37 =	vnsel vm12, $0xFFFFFFFE, v13;
	v30 =	vadd.s32 $0x1, v20;
	v32 =	vadd.s32 $0x109, v20;
	v21 =	vld.idx.msk [tilespmem:v21+s4+$0x0], $0xffff  }
0x8d: {  	v15 =	vld.idx.msk [tilespmem:v15+s4+$0x0], $0xffff;
	v63 =	vadd.s32 v23, v25;
	v23 =	vcvt.s32.f32 v16;
	v16 =	vadd.s32 v17, v27  }
0x8e: {  	v26 =	vcvt.s32.f32 v26;
	v24 =	vld.idx.msk [tilespmem:v31+s4+$0x0], $0xffff;
	vm13 =	vgt.s32 v63, $0xFFFFFFFE;
	v36 =	vadd.s32 $0x320, v16  }
0x8f: {  	vm15 =	vlt.s32 v37, $0x101;
	v20 =	vld.idx.msk [tilespmem:v20+s4+$0x0], $0xffff;
	v27 =	vadd.s32 $0x218, v16;
	v34 =	vnsel vm13, $0xFFFFFFFE, v63  }
0x90: {  	s20 =	sand.u32 $0x800, s22;
	s21 =	simm.s32 $0x0;
	v17 =	vcvt.s32.f32 v13;
	v16 =	vld.idx.msk [tilespmem:v28+s4+$0x0], $0xffff;
	v31 =	vadd.s32 $0x109, v27;
	vm14 =	vlt.s32 v34, $0x101  }
0x91: {  	s3 =	sand.u32 $0x380, s21;
	s1 =	sor.u32 s29, s20;
	v13 =	vcvt.s32.f32 v63;
	v28 =	vld.idx.msk [tilespmem:v32+s4+$0x0], $0xffff;
	v25 =	vadd.s32 $0x1, v27;
	v34 =	vnsel vm14, $0x101, v34  }
0x92: {  	s31 =	simm.s32 $0x0;
	s1 =	sor.u32 s3, s1;
	v32 =	vcvt.s32.f32 v18;
	v18 =	vcvt.s32.f32 v29;
	v29 =	vld.idx.msk [tilespmem:v30+s4+$0x0], $0xffff;
	v34 =	vmul.u32 $0x108, v34  }
0x93: {  	s29 =	simm.s32 $0x1;
	s28 =	sor.u32 s28, s1;
	s30 =	simm.s32 $0x0;
	v33 =	vnsel vm15, $0x101, v37;
	v30 =	vcvt.s32.f32 v22;
	v13 =	vsub.f32 v35, v13;
	v22 =	vld.idx.msk [tilespmem:v36+s4+$0x0], $0xffff  }
.LBB2_9:
0x94: {  	p1 =	sne.s32 s29, $0x3F;
	v10 =	vsub.f32 v10, v32;
	v11 =	vsub.f32 v11, v23;
	v23 =	vadd.s32 v34, v33;
	v27 =	vld.idx.msk [tilespmem:v27+s4+$0x0], $0xffff;
	s30 =	sadd.s32 $0x40, s30;
	s31 =	sadd.s32 $0x4, s31  }
0x95: {  	v21 =	vsub.f32 v21, v19;
	v24 =	vsub.f32 v24, v15;
	s1 =	smov.u32 s29;
	s29 =	sadd.s32 $0x1, s29;
	v32 =	vadd.s32 $0x218, v23;
	v31 =	vld.idx.msk [tilespmem:v31+s4+$0x0], $0xffff  }
0x96: {  	v23 =	vadd.s32 $0x320, v23;
	v33 =	vadd.s32 $0x1, v32;
	v25 =	vld.idx.msk [tilespmem:v25+s4+$0x0], $0xffff;
	v34 =	vadd.s32 $0x109, v32  }
0x97: {  	v28 =	vsub.f32 v28, v16;
	v21 =	vmul.f32 v21, v11;
	v11 =	vmul.f32 v24, v11  }
0x98: {  	v9 =	vsub.f32 v9, v30;
	v24 =	vsub.f32 v29, v20  }
0x99: {  	v28 =	vmul.f32 v28, v10;
	v19 =	vadd.f32 v21, v19;
	v11 =	vadd.f32 v11, v15  }
0x9a: {  	v12 =	vsub.f32 v12, v14;
	v8 =	vsub.f32 v8, v26;
	v10 =	vmul.f32 v24, v10;
	v14 =	vld.idx.msk [tilespmem:v32+s4+$0x0], $0xffff  }
0x9b: {  	v11 =	vsub.f32 v11, v19;
	v21 =	vsub.f32 v31, v22;
	v15 =	vld.idx.msk [tilespmem:v23+s4+$0x0], $0xffff  }
0x9c: {  	v10 =	vadd.f32 v10, v20;
	v20 =	vsub.f32 v25, v27;
	v23 =	vld.idx.msk [tilespmem:v33+s4+$0x0], $0xffff  }
0x9d: {  	v16 =	vadd.f32 v28, v16;
	v9 =	vmul.f32 v11, v9;
	v11 =	vmul.f32 v21, v12;
	v24 =	vld.idx.msk [tilespmem:v34+s4+$0x0], $0xffff  }
0x9e: {  	v7 =	vsub.f32 v7, v17;
	v12 =	vmul.f32 v20, v12  }
0x9f: {  	v16 =	vsub.f32 v16, v10;
	v11 =	vadd.f32 v11, v22  }
0xa0: {  	v9 =	vadd.f32 v9, v19;
	v12 =	vadd.f32 v12, v27  }
0xa1: {  	v6 =	vsub.f32 v6, v18;
	v8 =	vmul.f32 v16, v8  }
0xa2: {  	v16 =	vsub.f32 v23, v14;
	v11 =	vsub.f32 v11, v12  }
0xa3: {  	v8 =	vadd.f32 v8, v10;
	v10 =	vsub.f32 v24, v15  }
0xa4: {  	v16 =	vmul.f32 v16, v7;
	v6 =	vmul.f32 v11, v6  }
0xa5: {  	s3 =	sadd.s32 $0x18E80, s28;
	v7 =	vmul.f32 v10, v7;
	[tilespmem:s28+$0x18E80] =	vst v8  }
0xa6: {  	v8 =	vadd.f32 v16, v14;
	v6 =	vadd.f32 v6, v12;
	[tilespmem:s3+$0x10] =	vst v9  }
0xa7: {  	v7 =	vadd.f32 v7, v15  }
0xa8: {  	[tilespmem:s3+$0x30] =	vst v6  }
0xa9: {  	v6 =	vsub.f32 v7, v8;
	_ =	sdelay $0x1  }
0xaa: {  	v6 =	vmul.f32 v6, v13  }
0xab: {  	s8 =	sshll.u32 s1, $0x5;
	s10 =	sshll.u32 s31, $0x7;
	s28 =	sand.u32 $0x800, s30  }
0xac: {  	s20 =	sshll.u32 s1, $0x7;
	s8 =	sand.u32 $0x380, s8;
	s10 =	sand.u32 $0x400, s10;
	v6 =	vadd.f32 v6, v8  }
0xad: {  	s20 =	sand.u32 $0x3FFFFE00, s20;
	s21 =	sshrl.u32 s10, $0x2;
	s10 =	sor.u32 s10, s28  }
0xae: {  	s20 =	sor.u32 s21, s20;
	s28 =	sand.u32 $0x40, s30;
	s8 =	sor.u32 s8, s10;
	[tilespmem:s3+$0x20] =	vst v6  }
0xaf: {  	s3 =	sor.u32 s28, s20;
	s28 =	sor.u32 s28, s8  }
0xb0: {  	s8 =	sadd.s32 $0x14E80, s3;
	v6 =	vld [tilespmem:s3+$0x14E80]  }
0xb1: {  	s3 =	sand.u32 $0xC, s31;
	v9 =	vld [tilespmem:s8+$0x90]  }
0xb2: {  	s3 =	sshll.u32 s3, $0x4;
	v7 =	vld [tilespmem:s8+$0x20]  }
0xb3: {  	s3 =	scvt.s32.f32 s3;
	v8 =	vld [tilespmem:s8+$0x80]  }
0xb4: {  	s1 =	sshrl.u32 s1, $0x2;
	v11 =	vld [tilespmem:s8+$0xB0]  }
0xb5: {  	s1 =	sor.u32 s26, s1;
	v10 =	vadd.f32 s3, v3  }
0xb6: {  	s1 =	scvt.s32.f32 s1;
	v13 =	vadd.f32 s3, v1;
	v14 =	vadd.f32 s3, v4;
	v12 =	vld [tilespmem:s8+$0x10]  }
0xb7: {  	v15 =	vadd.f32 s3, v2;
	v7 =	vadd.f32 v7, v10  }
0xb8: {  	v10 =	vadd.f32 v6, v13;
	v8 =	vadd.f32 s1, v8  }
0xb9: {  	v9 =	vadd.f32 s1, v9;
	v6 =	vadd.f32 s1, v11;
	v13 =	vtrunc.f32 v7  }
0xba: {  	v16 =	vtrunc.f32 v10;
	vm2 =	vlt.f32 v10, $0.0e+00;
	vm0 =	vlt.f32 v7, $0.0e+00  }
0xbb: {  	v11 =	vadd.f32 v12, v15;
	v12 =	vcvt.f32.s32 v16;
	vm1 =	vlt.f32 v6, $0.0e+00  }
0xbc: {  	v13 =	vcvt.f32.s32 v13;
	v15 =	vtrunc.f32 v9;
	v16 =	vsel vm2, $0xFFFFFFFF, v5  }
0xbd: {  	v18 =	vtrunc.f32 v6;
	vm2 =	vlt.f32 v9, $0.0e+00;
	v17 =	vld [tilespmem:s8+$0xA0];
	v22 =	vadd.s32 v12, v16  }
0xbe: {  	v15 =	vcvt.f32.s32 v15;
	v12 =	vtrunc.f32 v8;
	vm3 =	vgt.s32 v22, $0xFFFFFFFE  }
0xbf: {  	vm4 =	vlt.f32 v8, $0.0e+00;
	v16 =	vsel vm2, $0xFFFFFFFF, v5;
	v19 =	vnsel vm3, $0xFFFFFFFE, v22  }
0xc0: {  	v18 =	vcvt.f32.s32 v18;
	vm2 =	vlt.f32 v11, $0.0e+00;
	v20 =	vld [tilespmem:s8+$0x30];
	vm3 =	vlt.s32 v19, $0x101  }
0xc1: {  	v12 =	vcvt.f32.s32 v12;
	v30 =	vadd.s32 v15, v16;
	v15 =	vnsel vm3, $0x101, v19  }
0xc2: {  	v16 =	vtrunc.f32 v11;
	v19 =	vsel vm4, $0xFFFFFFFF, v5;
	vm3 =	vgt.s32 v30, $0xFFFFFFFE  }
0xc3: {  	v16 =	vcvt.f32.s32 v16;
	v26 =	vadd.s32 v12, v19;
	v19 =	vnsel vm3, $0xFFFFFFFE, v30  }
0xc4: {  	v21 =	vsel vm2, $0xFFFFFFFF, v5;
	vm2 =	vgt.s32 v26, $0xFFFFFFFE;
	vm3 =	vlt.s32 v19, $0x101  }
0xc5: {  	v16 =	vadd.s32 v16, v21;
	v12 =	vadd.f32 v20, v14;
	v14 =	vnsel vm2, $0xFFFFFFFE, v26  }
0xc6: {  	v19 =	vnsel vm3, $0x101, v19;
	vm2 =	vgt.s32 v16, $0xFFFFFFFE;
	vm4 =	vlt.s32 v14, $0x101  }
0xc7: {  	v20 =	vnsel vm2, $0xFFFFFFFE, v16;
	vm3 =	vlt.f32 v12, $0.0e+00;
	v14 =	vnsel vm4, $0x101, v14  }
0xc8: {  	v35 =	vadd.f32 s1, v17;
	vm2 =	vlt.s32 v20, $0x101;
	v17 =	vsel vm3, $0xFFFFFFFF, v5  }
0xc9: {  	v19 =	vmul.u32 $0x108, v19;
	v20 =	vnsel vm2, $0x101, v20;
	v14 =	vmul.u32 $0x108, v14  }
0xca: {  	v23 =	vsel vm1, $0xFFFFFFFF, v5;
	v21 =	vtrunc.f32 v12;
	vm2 =	vlt.f32 v35, $0.0e+00  }
0xcb: {  	v18 =	vadd.s32 v18, v23;
	v21 =	vcvt.f32.s32 v21;
	v19 =	vadd.s32 v19, v20  }
0xcc: {  	v14 =	vadd.s32 v14, v15;
	v20 =	vadd.s32 $0x218, v19;
	v15 =	vadd.s32 $0x320, v19  }
0xcd: {  	v17 =	vadd.s32 v21, v17;
	v28 =	vadd.s32 $0x218, v14;
	v19 =	vadd.s32 $0x1, v20  }
0xce: {  	vm3 =	vgt.s32 v18, $0xFFFFFFFE;
	vm1 =	vgt.s32 v17, $0xFFFFFFFE;
	v29 =	vadd.s32 $0x1, v28  }
0xcf: {  	v23 =	vnsel vm3, $0xFFFFFFFE, v18;
	v31 =	vadd.s32 $0x320, v14;
	v21 =	vnsel vm1, $0xFFFFFFFE, v17  }
0xd0: {  	v24 =	vsel vm2, $0xFFFFFFFF, v5;
	v14 =	vtrunc.f32 v35;
	vm1 =	vlt.s32 v21, $0x101  }
0xd1: {  	v32 =	vadd.s32 $0x109, v20;
	v25 =	vnsel vm1, $0x101, v21;
	vm1 =	vlt.s32 v23, $0x101  }
0xd2: {  	v27 =	vcvt.f32.s32 v14;
	v34 =	vadd.s32 $0x109, v28;
	v21 =	vnsel vm1, $0x101, v23  }
0xd3: {  	v14 =	vcvt.s32.f32 v17;
	v23 =	vsel vm0, $0xFFFFFFFF, v5;
	v17 =	vmul.u32 $0x108, v21;
	v21 =	vld.idx.msk [tilespmem:v19+s4+$0x0], $0xffff  }
0xd4: {  	v33 =	vadd.s32 v27, v24;
	v13 =	vadd.s32 v13, v23;
	v23 =	vcvt.s32.f32 v16;
	v15 =	vld.idx.msk [tilespmem:v15+s4+$0x0], $0xffff  }
0xd5: {  	vm1 =	vgt.s32 v33, $0xFFFFFFFE;
	vm0 =	vgt.s32 v13, $0xFFFFFFFE;
	v16 =	vadd.s32 v17, v25;
	v19 =	vld.idx.msk [tilespmem:v20+s4+$0x0], $0xffff  }
0xd6: {  	v36 =	vnsel vm1, $0xFFFFFFFE, v33;
	v27 =	vadd.s32 $0x218, v16;
	v37 =	vadd.s32 $0x320, v16;
	v24 =	vld.idx.msk [tilespmem:v32+s4+$0x0], $0xffff  }
.Ltmp3:
0xd7: {  	v25 =	vadd.s32 $0x1, v27;
	v32 =	vnsel vm0, $0xFFFFFFFE, v13;
	vm0 =	vlt.s32 v36, $0x101;
	v16 =	vld.idx.msk [tilespmem:v31+s4+$0x0], $0xffff;
	(pc) =	sbr.rel @p1 .LBB2_9-.Ltmp3, $4  }
0xd8: {  	v17 =	vcvt.s32.f32 v13;
	vm1 =	vlt.s32 v32, $0x101;
	v31 =	vadd.s32 $0x109, v27;
	v20 =	vld.idx.msk [tilespmem:v28+s4+$0x0], $0xffff  }
0xd9: {  	v13 =	vcvt.s32.f32 v33;
	v36 =	vnsel vm0, $0x101, v36;
	v33 =	vnsel vm1, $0x101, v32;
	v28 =	vld.idx.msk [tilespmem:v34+s4+$0x0], $0xffff  }
0xda: {  	v18 =	vcvt.s32.f32 v18;
	v32 =	vcvt.s32.f32 v22;
	v34 =	vmul.u32 $0x108, v36;
	v29 =	vld.idx.msk [tilespmem:v29+s4+$0x0], $0xffff  }
0xdb: {  	v30 =	vcvt.s32.f32 v30;
	v26 =	vcvt.s32.f32 v26;
	v13 =	vsub.f32 v35, v13;
	v22 =	vld.idx.msk [tilespmem:v37+s4+$0x0], $0xffff  }
0xdc: {  	_ = 	snop  }
0xdd: {  	v33 =	vadd.s32 v34, v33  }
0xde: {  	v34 =	vadd.s32 $0x218, v33  }
0xdf: {  	v33 =	vadd.s32 $0x320, v33  }
0xe0: {  	v27 =	vld.idx.msk [tilespmem:v27+s4+$0x0], $0xffff;
	v35 =	vadd.s32 $0x1, v34  }
0xe1: {  	v31 =	vld.idx.msk [tilespmem:v31+s4+$0x0], $0xffff;
	v36 =	vadd.s32 $0x109, v34  }
0xe2: {  	v11 =	vsub.f32 v11, v23;
	v51 =	vld.idx.msk [tilespmem:v25+s4+$0x0], $0xffff  }
0xe3: {  	v21 =	vsub.f32 v21, v19;
	v24 =	vsub.f32 v24, v15;
	v52 =	vld.idx.msk [tilespmem:v34+s4+$0x0], $0xffff  }
0xe4: {  	v10 =	vsub.f32 v10, v32;
	v12 =	vsub.f32 v12, v14;
	v53 =	vld.idx.msk [tilespmem:v33+s4+$0x0], $0xffff  }
0xe5: {  	v7 =	vsub.f32 v7, v17;
	v9 =	vsub.f32 v9, v30;
	v21 =	vmul.f32 v21, v11;
	v55 =	vld.idx.msk [tilespmem:v35+s4+$0x0], $0xffff  }
0xe6: {  	v28 =	vsub.f32 v28, v16;
	v11 =	vmul.f32 v24, v11;
	v54 =	vsub.f32 v29, v20;
	v57 =	vld.idx.msk [tilespmem:v36+s4+$0x0], $0xffff  }
0xe7: {  	v8 =	vsub.f32 v8, v26;
	v56 =	vadd.f32 v21, v19  }
0xe8: {  	v11 =	vadd.f32 v11, v15;
	v58 =	vmul.f32 v54, v10;
	v10 =	vmul.f32 v28, v10  }
0xe9: {  	v59 =	vsub.f32 v31, v22;
	v60 =	vsub.f32 v51, v27  }
0xea: {  	v14 =	vadd.f32 v58, v20;
	v10 =	vadd.f32 v10, v16  }
0xeb: {  	v61 =	vsub.f32 v55, v52;
	v62 =	vsub.f32 v57, v53  }
0xec: {  	v11 =	vsub.f32 v11, v56;
	v15 =	vmul.f32 v59, v12;
	v12 =	vmul.f32 v60, v12  }
0xed: {  	v10 =	vsub.f32 v10, v14;
	v16 =	vmul.f32 v61, v7;
	v7 =	vmul.f32 v62, v7  }
0xee: {  	v15 =	vadd.f32 v15, v22;
	v12 =	vadd.f32 v12, v27  }
0xef: {  	v16 =	vadd.f32 v16, v52;
	v7 =	vadd.f32 v7, v53  }
0xf0: {  	v6 =	vsub.f32 v6, v18;
	v8 =	vmul.f32 v10, v8;
	v63 =	vsub.f32 v15, v12  }
0xf1: {  	v9 =	vmul.f32 v11, v9;
	v7 =	vsub.f32 v7, v16  }
0xf2: {  	v8 =	vadd.f32 v8, v14;
	v6 =	vmul.f32 v63, v6  }
0xf3: {  	p1 =	sne.s32 s23, $0x31;
	v9 =	vadd.f32 v9, v56;
	v7 =	vmul.f32 v7, v13  }
.Ltmp4:
0xf4: {  	s1 =	sadd.s32 $0x18E80, s28;
	[tilespmem:s28+$0x18E80] =	vst v8;
	v6 =	vadd.f32 v6, v12;
	(pc) =	sbr.rel @p1 .LBB2_12-.Ltmp4, $4  }
0xf5: {  	[tilespmem:s1+$0x10] =	vst v9;
	v7 =	vadd.f32 v7, v16  }
0xf6: {  	s3 =	sshll.u32 s25, $0x5;
	[tilespmem:s1+$0x30] =	vst v6  }
0xf7: {  	s31 =	sadd.s32 s2, s3;
	[tilespmem:s1+$0x20] =	vst v7  }
0xf8: {  	[hbm4b:s31+s4] =	stream.linear.scatter [tilespmem:s16], [sflag:$0x3], $0x1000, $0x38;
	[tilespmem:$0x1AE80] =	vst v63  }
.Ltmp5:
0xf9: {  	(pc) =	sbr.rel .LBB2_13-.Ltmp5, $4  }
0xfa: {  	_ = 	snop  }
0xfb: {  	_ =	swait.ge [sflag:s17], $0x2000  }
0xfc: {  	[sflag:s17] =	ssyncset.done $0x0  }
0xfd: {  	[sflag:s17] =	ssyncadd.s32 $0xFFFFE000  }
.LBB2_12:
0xfe: {  	s1 =	sshll.u32 s23, $0xE  }
0xff: {  	s1 =	sadd.s32 s1, s9  }
0x100: {  	s1 =	sshrl.u32 s1, $0x3  }
.Ltmp6:
0x101: {  	s1 =	sadd.s32 s0, s1;
	(pc) =	sbr.rel @p0 .LBB2_14-.Ltmp6, $4  }
0x102: {  	[tilespmem:s13], [sflag:$0x1] =	stream.linear.gather [hbm4b:s1+s4], $0x2000, $0x38;
	[tilespmem:$0x1AE80] =	vst v63  }
0x103: {  	_ =	swait.ge [sflag:s17], $0x2000  }
0x104: {  	[sflag:s17] =	ssyncset.done $0x0  }
0x105: {  	[sflag:s17] =	ssyncadd.s32 $0xFFFFE000  }
.LBB2_13:
0x106: {  	_ =	swait.ge [sflag:s18], $0x1000  }
0x107: {  	[sflag:s18] =	ssyncset.done $0x0  }
0x108: {  	[sflag:s18] =	ssyncadd.s32 $0xFFFFF000  }
.LBB2_14:
0x109: {  	s1 =	simm.s32 $0x0  }
0x10a: {  	s3 =	simm.s32 $0x0;
	s29 =	sand.u32 $0x400, s1  }
0x10b: {  	s25 =	simm.s32 $0x0;
	s21 =	sand.u32 $0x3FFFFE00, s3;
	s26 =	sshrl.u32 s29, $0x2  }
0x10c: {  	s28 =	sand.u32 $0x40, s25;
	s1 =	sor.u32 s26, s21  }
0x10d: {  	s1 =	sor.u32 s28, s1  }
0x10e: {  	s31 =	sadd.s32 $0x16E80, s1;
	v6 =	vld [tilespmem:s1+$0x16E80]  }
0x10f: {  	v9 =	vld [tilespmem:s31+$0x90]  }
0x110: {  	s10 =	sand.u32 $0xC, s25;
	v7 =	vld [tilespmem:s31+$0x20]  }
0x111: {  	s8 =	sshll.u32 s24, $0x4;
	s1 =	sshll.u32 s10, $0x4;
	v8 =	vld [tilespmem:s31+$0x80]  }
0x112: {  	s24 =	sadd.s32 s6, s8;
	s1 =	scvt.s32.f32 s1;
	v11 =	vld [tilespmem:s31+$0xB0]  }
0x113: {  	s20 =	simm.s32 $0x0;
	s26 =	sand.u32 $0xF0, s24;
	v12 =	vld [tilespmem:s31+$0x10]  }
0x114: {  	s8 =	sor.u32 s26, s20;
	v21 =	vld [tilespmem:s31+$0xA0];
	v10 =	vadd.f32 s1, v3;
	v13 =	vadd.f32 s1, v1  }
0x115: {  	s8 =	scvt.s32.f32 s8;
	v14 =	vadd.f32 s1, v4;
	v15 =	vadd.f32 s1, v2  }
0x116: {  	v7 =	vadd.f32 v7, v10;
	v10 =	vadd.f32 v6, v13  }
0x117: {  	v8 =	vadd.f32 s8, v8;
	v9 =	vadd.f32 s8, v9  }
0x118: {  	v6 =	vadd.f32 s8, v11;
	v11 =	vadd.f32 v12, v15  }
0x119: {  	v35 =	vadd.f32 s8, v21;
	v13 =	vtrunc.f32 v7;
	v16 =	vtrunc.f32 v10  }
0x11a: {  	vm2 =	vlt.f32 v10, $0.0e+00;
	vm0 =	vlt.f32 v7, $0.0e+00;
	vm1 =	vlt.f32 v6, $0.0e+00  }
0x11b: {  	v15 =	vtrunc.f32 v9;
	v17 =	vtrunc.f32 v6;
	vm10 =	vlt.f32 v9, $0.0e+00  }
0x11c: {  	vm4 =	vlt.f32 v8, $0.0e+00;
	vm11 =	vlt.f32 v11, $0.0e+00;
	vm8 =	vlt.f32 v35, $0.0e+00  }
0x11d: {  	v12 =	vcvt.f32.s32 v16;
	v13 =	vcvt.f32.s32 v13;
	v16 =	vsel vm2, $0xFFFFFFFF, v5  }
0x11e: {  	v15 =	vcvt.f32.s32 v15;
	v17 =	vcvt.f32.s32 v17;
	v23 =	vsel vm11, $0xFFFFFFFF, v5  }
0x11f: {  	v24 =	vsel vm1, $0xFFFFFFFF, v5;
	v25 =	vsel vm8, $0xFFFFFFFF, v5;
	v33 =	vsel vm0, $0xFFFFFFFF, v5  }
0x120: {  	v18 =	vadd.s32 v12, v16;
	v12 =	vtrunc.f32 v8;
	v16 =	vsel vm10, $0xFFFFFFFF, v5  }
0x121: {  	v20 =	vld [tilespmem:s31+$0x30];
	v29 =	vadd.s32 v17, v24;
	v13 =	vadd.s32 v13, v33;
	vm3 =	vgt.s32 v18, $0xFFFFFFFE  }
0x122: {  	v22 =	vadd.s32 v15, v16;
	v16 =	vtrunc.f32 v11;
	v19 =	vnsel vm3, $0xFFFFFFFE, v18  }
0x123: {  	v12 =	vcvt.f32.s32 v12;
	v16 =	vcvt.f32.s32 v16;
	vm3 =	vlt.s32 v19, $0x101  }
0x124: {  	vm10 =	vgt.s32 v29, $0xFFFFFFFE;
	v15 =	vnsel vm3, $0x101, v19;
	v19 =	vsel vm4, $0xFFFFFFFF, v5  }
0x125: {  	vm12 =	vgt.s32 v22, $0xFFFFFFFE;
	v16 =	vadd.s32 v16, v23;
	v26 =	vadd.s32 v12, v19  }
0x126: {  	v19 =	vnsel vm12, $0xFFFFFFFE, v22;
	v12 =	vadd.f32 v20, v14;
	vm14 =	vgt.s32 v16, $0xFFFFFFFE  }
0x127: {  	vm13 =	vgt.s32 v26, $0xFFFFFFFE;
	vm3 =	vlt.s32 v19, $0x101;
	v20 =	vnsel vm14, $0xFFFFFFFE, v16  }
0x128: {  	v14 =	vnsel vm13, $0xFFFFFFFE, v26;
	v19 =	vnsel vm3, $0x101, v19;
	vm7 =	vlt.f32 v12, $0.0e+00  }
0x129: {  	vm2 =	vlt.s32 v20, $0x101;
	vm15 =	vlt.s32 v14, $0x101;
	v19 =	vmul.u32 $0x108, v19  }
0x12a: {  	v23 =	vtrunc.f32 v12;
	v20 =	vnsel vm2, $0x101, v20;
	v14 =	vnsel vm15, $0x101, v14  }
0x12b: {  	v23 =	vcvt.f32.s32 v23;
	v14 =	vmul.u32 $0x108, v14;
	v17 =	vadd.s32 v19, v20  }
0x12c: {  	v24 =	vnsel vm10, $0xFFFFFFFE, v29;
	v21 =	vsel vm7, $0xFFFFFFFF, v5;
	v19 =	vadd.s32 $0x218, v17  }
0x12d: {  	v14 =	vadd.s32 v14, v15;
	v15 =	vadd.s32 $0x320, v17;
	v17 =	vadd.s32 v23, v21  }
0x12e: {  	vm11 =	vlt.s32 v24, $0x101;
	v21 =	vadd.s32 $0x1, v19;
	vm9 =	vgt.s32 v17, $0xFFFFFFFE  }
0x12f: {  	v24 =	vnsel vm11, $0x101, v24;
	vm12 =	vgt.s32 v13, $0xFFFFFFFE;
	v23 =	vnsel vm9, $0xFFFFFFFE, v17  }
0x130: {  	v31 =	vadd.s32 $0x109, v19;
	v20 =	vadd.s32 $0x218, v14;
	vm1 =	vlt.s32 v23, $0x101  }
0x131: {  	v28 =	vadd.s32 $0x320, v14;
	v14 =	vtrunc.f32 v35;
	v27 =	vnsel vm1, $0x101, v23  }
0x132: {  	v23 =	vcvt.f32.s32 v14;
	v14 =	vcvt.s32.f32 v17;
	v17 =	vmul.u32 $0x108, v24;
	v19 =	vld.idx.msk [tilespmem:v19+s4+$0x0], $0xffff  }
0x133: {  	v37 =	vnsel vm12, $0xFFFFFFFE, v13;
	v30 =	vadd.s32 $0x1, v20;
	v32 =	vadd.s32 $0x109, v20;
	v21 =	vld.idx.msk [tilespmem:v21+s4+$0x0], $0xffff  }
0x134: {  	v15 =	vld.idx.msk [tilespmem:v15+s4+$0x0], $0xffff;
	v63 =	vadd.s32 v23, v25;
	v23 =	vcvt.s32.f32 v16;
	v16 =	vadd.s32 v17, v27  }
0x135: {  	v26 =	vcvt.s32.f32 v26;
	v24 =	vld.idx.msk [tilespmem:v31+s4+$0x0], $0xffff;
	vm13 =	vgt.s32 v63, $0xFFFFFFFE;
	v36 =	vadd.s32 $0x320, v16  }
0x136: {  	vm15 =	vlt.s32 v37, $0x101;
	v20 =	vld.idx.msk [tilespmem:v20+s4+$0x0], $0xffff;
	v27 =	vadd.s32 $0x218, v16;
	v34 =	vnsel vm13, $0xFFFFFFFE, v63  }
0x137: {  	s21 =	sand.u32 $0x800, s25;
	s31 =	simm.s32 $0x0;
	v17 =	vcvt.s32.f32 v13;
	v16 =	vld.idx.msk [tilespmem:v28+s4+$0x0], $0xffff;
	v31 =	vadd.s32 $0x109, v27;
	vm14 =	vlt.s32 v34, $0x101  }
0x138: {  	s3 =	sand.u32 $0x380, s31;
	s1 =	sor.u32 s29, s21;
	v13 =	vcvt.s32.f32 v63;
	v28 =	vld.idx.msk [tilespmem:v32+s4+$0x0], $0xffff;
	v25 =	vadd.s32 $0x1, v27;
	v34 =	vnsel vm14, $0x101, v34  }
0x139: {  	s1 =	sor.u32 s3, s1;
	v32 =	vcvt.s32.f32 v18;
	v18 =	vcvt.s32.f32 v29;
	v29 =	vld.idx.msk [tilespmem:v30+s4+$0x0], $0xffff;
	v34 =	vmul.u32 $0x108, v34  }
0x13a: {  	s30 =	simm.s32 $0x0;
	s29 =	simm.s32 $0x1;
	s28 =	sor.u32 s28, s1;
	v33 =	vnsel vm15, $0x101, v37;
	v30 =	vcvt.s32.f32 v22;
	v13 =	vsub.f32 v35, v13;
	v22 =	vld.idx.msk [tilespmem:v36+s4+$0x0], $0xffff  }
.LBB2_15:
0x13b: {  	p0 =	sne.s32 s29, $0x3F;
	v10 =	vsub.f32 v10, v32;
	v11 =	vsub.f32 v11, v23;
	v23 =	vadd.s32 v34, v33;
	v27 =	vld.idx.msk [tilespmem:v27+s4+$0x0], $0xffff;
	s25 =	sadd.s32 $0x40, s25;
	s30 =	sadd.s32 $0x4, s30  }
0x13c: {  	v21 =	vsub.f32 v21, v19;
	v24 =	vsub.f32 v24, v15;
	s1 =	smov.u32 s29;
	s29 =	sadd.s32 $0x1, s29;
	v32 =	vadd.s32 $0x218, v23;
	v31 =	vld.idx.msk [tilespmem:v31+s4+$0x0], $0xffff  }
0x13d: {  	v23 =	vadd.s32 $0x320, v23;
	v33 =	vadd.s32 $0x1, v32;
	v25 =	vld.idx.msk [tilespmem:v25+s4+$0x0], $0xffff;
	v34 =	vadd.s32 $0x109, v32  }
0x13e: {  	v28 =	vsub.f32 v28, v16;
	v21 =	vmul.f32 v21, v11;
	v11 =	vmul.f32 v24, v11  }
0x13f: {  	v9 =	vsub.f32 v9, v30;
	v24 =	vsub.f32 v29, v20  }
0x140: {  	v28 =	vmul.f32 v28, v10;
	v19 =	vadd.f32 v21, v19;
	v11 =	vadd.f32 v11, v15  }
0x141: {  	v12 =	vsub.f32 v12, v14;
	v8 =	vsub.f32 v8, v26;
	v10 =	vmul.f32 v24, v10;
	v14 =	vld.idx.msk [tilespmem:v32+s4+$0x0], $0xffff  }
0x142: {  	v11 =	vsub.f32 v11, v19;
	v21 =	vsub.f32 v31, v22;
	v15 =	vld.idx.msk [tilespmem:v23+s4+$0x0], $0xffff  }
0x143: {  	v10 =	vadd.f32 v10, v20;
	v20 =	vsub.f32 v25, v27;
	v23 =	vld.idx.msk [tilespmem:v33+s4+$0x0], $0xffff  }
0x144: {  	v16 =	vadd.f32 v28, v16;
	v9 =	vmul.f32 v11, v9;
	v11 =	vmul.f32 v21, v12;
	v24 =	vld.idx.msk [tilespmem:v34+s4+$0x0], $0xffff  }
0x145: {  	v7 =	vsub.f32 v7, v17;
	v12 =	vmul.f32 v20, v12  }
0x146: {  	v16 =	vsub.f32 v16, v10;
	v11 =	vadd.f32 v11, v22  }
0x147: {  	v9 =	vadd.f32 v9, v19;
	v12 =	vadd.f32 v12, v27  }
0x148: {  	v6 =	vsub.f32 v6, v18;
	v8 =	vmul.f32 v16, v8  }
0x149: {  	v16 =	vsub.f32 v23, v14;
	v11 =	vsub.f32 v11, v12  }
0x14a: {  	v8 =	vadd.f32 v8, v10;
	v10 =	vsub.f32 v24, v15  }
0x14b: {  	v16 =	vmul.f32 v16, v7;
	v6 =	vmul.f32 v11, v6  }
0x14c: {  	s3 =	sadd.s32 $0x19E80, s28;
	v7 =	vmul.f32 v10, v7;
	[tilespmem:s28+$0x19E80] =	vst v8  }
0x14d: {  	v8 =	vadd.f32 v16, v14;
	v6 =	vadd.f32 v6, v12;
	[tilespmem:s3+$0x10] =	vst v9  }
0x14e: {  	v7 =	vadd.f32 v7, v15  }
0x14f: {  	[tilespmem:s3+$0x30] =	vst v6  }
0x150: {  	v6 =	vsub.f32 v7, v8;
	_ =	sdelay $0x1  }
0x151: {  	v6 =	vmul.f32 v6, v13  }
0x152: {  	s8 =	sand.u32 $0x800, s25;
	s10 =	sshll.u32 s1, $0x5;
	s20 =	sshll.u32 s30, $0x7  }
0x153: {  	s21 =	sshll.u32 s1, $0x7;
	s10 =	sand.u32 $0x380, s10;
	s20 =	sand.u32 $0x400, s20;
	v6 =	vadd.f32 v6, v8  }
0x154: {  	s21 =	sand.u32 $0x3FFFFE00, s21;
	s8 =	sor.u32 s20, s8;
	s28 =	sshrl.u32 s20, $0x2  }
0x155: {  	s8 =	sor.u32 s10, s8;
	s20 =	sand.u32 $0x40, s25;
	s21 =	sor.u32 s28, s21;
	[tilespmem:s3+$0x20] =	vst v6  }
0x156: {  	s28 =	sor.u32 s20, s8;
	s3 =	sor.u32 s20, s21  }
0x157: {  	s8 =	sadd.s32 $0x16E80, s3;
	v6 =	vld [tilespmem:s3+$0x16E80]  }
0x158: {  	s3 =	sand.u32 $0xC, s30;
	v9 =	vld [tilespmem:s8+$0x90]  }
0x159: {  	s3 =	sshll.u32 s3, $0x4;
	v7 =	vld [tilespmem:s8+$0x20]  }
0x15a: {  	s3 =	scvt.s32.f32 s3;
	v8 =	vld [tilespmem:s8+$0x80]  }
0x15b: {  	s1 =	sshrl.u32 s1, $0x2;
	v11 =	vld [tilespmem:s8+$0xB0]  }
0x15c: {  	s1 =	sor.u32 s26, s1;
	v10 =	vadd.f32 s3, v3  }
0x15d: {  	s1 =	scvt.s32.f32 s1;
	v13 =	vadd.f32 s3, v1;
	v14 =	vadd.f32 s3, v4;
	v12 =	vld [tilespmem:s8+$0x10]  }
0x15e: {  	v15 =	vadd.f32 s3, v2;
	v7 =	vadd.f32 v7, v10  }
0x15f: {  	v10 =	vadd.f32 v6, v13;
	v8 =	vadd.f32 s1, v8  }
0x160: {  	v9 =	vadd.f32 s1, v9;
	v6 =	vadd.f32 s1, v11;
	v13 =	vtrunc.f32 v7  }
0x161: {  	v16 =	vtrunc.f32 v10;
	vm2 =	vlt.f32 v10, $0.0e+00;
	vm0 =	vlt.f32 v7, $0.0e+00  }
0x162: {  	v11 =	vadd.f32 v12, v15;
	v12 =	vcvt.f32.s32 v16;
	vm1 =	vlt.f32 v6, $0.0e+00  }
0x163: {  	v13 =	vcvt.f32.s32 v13;
	v15 =	vtrunc.f32 v9;
	v16 =	vsel vm2, $0xFFFFFFFF, v5  }
0x164: {  	v18 =	vtrunc.f32 v6;
	vm2 =	vlt.f32 v9, $0.0e+00;
	v17 =	vld [tilespmem:s8+$0xA0];
	v22 =	vadd.s32 v12, v16  }
0x165: {  	v15 =	vcvt.f32.s32 v15;
	v12 =	vtrunc.f32 v8;
	vm3 =	vgt.s32 v22, $0xFFFFFFFE  }
0x166: {  	vm4 =	vlt.f32 v8, $0.0e+00;
	v16 =	vsel vm2, $0xFFFFFFFF, v5;
	v19 =	vnsel vm3, $0xFFFFFFFE, v22  }
0x167: {  	v18 =	vcvt.f32.s32 v18;
	vm2 =	vlt.f32 v11, $0.0e+00;
	v20 =	vld [tilespmem:s8+$0x30];
	vm3 =	vlt.s32 v19, $0x101  }
0x168: {  	v12 =	vcvt.f32.s32 v12;
	v30 =	vadd.s32 v15, v16;
	v15 =	vnsel vm3, $0x101, v19  }
0x169: {  	v16 =	vtrunc.f32 v11;
	v19 =	vsel vm4, $0xFFFFFFFF, v5;
	vm3 =	vgt.s32 v30, $0xFFFFFFFE  }
0x16a: {  	v16 =	vcvt.f32.s32 v16;
	v26 =	vadd.s32 v12, v19;
	v19 =	vnsel vm3, $0xFFFFFFFE, v30  }
0x16b: {  	v21 =	vsel vm2, $0xFFFFFFFF, v5;
	vm2 =	vgt.s32 v26, $0xFFFFFFFE;
	vm3 =	vlt.s32 v19, $0x101  }
0x16c: {  	v16 =	vadd.s32 v16, v21;
	v12 =	vadd.f32 v20, v14;
	v14 =	vnsel vm2, $0xFFFFFFFE, v26  }
0x16d: {  	v19 =	vnsel vm3, $0x101, v19;
	vm2 =	vgt.s32 v16, $0xFFFFFFFE;
	vm4 =	vlt.s32 v14, $0x101  }
0x16e: {  	v20 =	vnsel vm2, $0xFFFFFFFE, v16;
	vm3 =	vlt.f32 v12, $0.0e+00;
	v14 =	vnsel vm4, $0x101, v14  }
0x16f: {  	v35 =	vadd.f32 s1, v17;
	vm2 =	vlt.s32 v20, $0x101;
	v17 =	vsel vm3, $0xFFFFFFFF, v5  }
0x170: {  	v19 =	vmul.u32 $0x108, v19;
	v20 =	vnsel vm2, $0x101, v20;
	v14 =	vmul.u32 $0x108, v14  }
0x171: {  	v23 =	vsel vm1, $0xFFFFFFFF, v5;
	v21 =	vtrunc.f32 v12;
	vm2 =	vlt.f32 v35, $0.0e+00  }
0x172: {  	v18 =	vadd.s32 v18, v23;
	v21 =	vcvt.f32.s32 v21;
	v19 =	vadd.s32 v19, v20  }
0x173: {  	v14 =	vadd.s32 v14, v15;
	v20 =	vadd.s32 $0x218, v19;
	v15 =	vadd.s32 $0x320, v19  }
0x174: {  	v17 =	vadd.s32 v21, v17;
	v28 =	vadd.s32 $0x218, v14;
	v19 =	vadd.s32 $0x1, v20  }
0x175: {  	vm3 =	vgt.s32 v18, $0xFFFFFFFE;
	vm1 =	vgt.s32 v17, $0xFFFFFFFE;
	v29 =	vadd.s32 $0x1, v28  }
0x176: {  	v23 =	vnsel vm3, $0xFFFFFFFE, v18;
	v31 =	vadd.s32 $0x320, v14;
	v21 =	vnsel vm1, $0xFFFFFFFE, v17  }
0x177: {  	v24 =	vsel vm2, $0xFFFFFFFF, v5;
	v14 =	vtrunc.f32 v35;
	vm1 =	vlt.s32 v21, $0x101  }
0x178: {  	v32 =	vadd.s32 $0x109, v20;
	v25 =	vnsel vm1, $0x101, v21;
	vm1 =	vlt.s32 v23, $0x101  }
0x179: {  	v27 =	vcvt.f32.s32 v14;
	v34 =	vadd.s32 $0x109, v28;
	v21 =	vnsel vm1, $0x101, v23  }
0x17a: {  	v14 =	vcvt.s32.f32 v17;
	v23 =	vsel vm0, $0xFFFFFFFF, v5;
	v17 =	vmul.u32 $0x108, v21;
	v21 =	vld.idx.msk [tilespmem:v19+s4+$0x0], $0xffff  }
0x17b: {  	v33 =	vadd.s32 v27, v24;
	v13 =	vadd.s32 v13, v23;
	v23 =	vcvt.s32.f32 v16;
	v15 =	vld.idx.msk [tilespmem:v15+s4+$0x0], $0xffff  }
0x17c: {  	vm1 =	vgt.s32 v33, $0xFFFFFFFE;
	vm0 =	vgt.s32 v13, $0xFFFFFFFE;
	v16 =	vadd.s32 v17, v25;
	v19 =	vld.idx.msk [tilespmem:v20+s4+$0x0], $0xffff  }
0x17d: {  	v36 =	vnsel vm1, $0xFFFFFFFE, v33;
	v27 =	vadd.s32 $0x218, v16;
	v37 =	vadd.s32 $0x320, v16;
	v24 =	vld.idx.msk [tilespmem:v32+s4+$0x0], $0xffff  }
.Ltmp7:
0x17e: {  	v25 =	vadd.s32 $0x1, v27;
	v32 =	vnsel vm0, $0xFFFFFFFE, v13;
	vm0 =	vlt.s32 v36, $0x101;
	v16 =	vld.idx.msk [tilespmem:v31+s4+$0x0], $0xffff;
	(pc) =	sbr.rel @p0 .LBB2_15-.Ltmp7, $4  }
0x17f: {  	v17 =	vcvt.s32.f32 v13;
	vm1 =	vlt.s32 v32, $0x101;
	v31 =	vadd.s32 $0x109, v27;
	v20 =	vld.idx.msk [tilespmem:v28+s4+$0x0], $0xffff  }
0x180: {  	v13 =	vcvt.s32.f32 v33;
	v36 =	vnsel vm0, $0x101, v36;
	v33 =	vnsel vm1, $0x101, v32;
	v28 =	vld.idx.msk [tilespmem:v34+s4+$0x0], $0xffff  }
0x181: {  	v18 =	vcvt.s32.f32 v18;
	v32 =	vcvt.s32.f32 v22;
	v34 =	vmul.u32 $0x108, v36;
	v29 =	vld.idx.msk [tilespmem:v29+s4+$0x0], $0xffff  }
0x182: {  	v30 =	vcvt.s32.f32 v30;
	v26 =	vcvt.s32.f32 v26;
	v13 =	vsub.f32 v35, v13;
	v22 =	vld.idx.msk [tilespmem:v37+s4+$0x0], $0xffff  }
0x183: {  	_ = 	snop  }
0x184: {  	v33 =	vadd.s32 v34, v33  }
0x185: {  	v34 =	vadd.s32 $0x218, v33  }
0x186: {  	v33 =	vadd.s32 $0x320, v33  }
0x187: {  	v27 =	vld.idx.msk [tilespmem:v27+s4+$0x0], $0xffff;
	v35 =	vadd.s32 $0x1, v34  }
0x188: {  	v31 =	vld.idx.msk [tilespmem:v31+s4+$0x0], $0xffff;
	v36 =	vadd.s32 $0x109, v34  }
0x189: {  	v11 =	vsub.f32 v11, v23;
	v51 =	vld.idx.msk [tilespmem:v25+s4+$0x0], $0xffff  }
0x18a: {  	v21 =	vsub.f32 v21, v19;
	v24 =	vsub.f32 v24, v15;
	v52 =	vld.idx.msk [tilespmem:v34+s4+$0x0], $0xffff  }
0x18b: {  	v10 =	vsub.f32 v10, v32;
	v12 =	vsub.f32 v12, v14;
	v53 =	vld.idx.msk [tilespmem:v33+s4+$0x0], $0xffff  }
0x18c: {  	v7 =	vsub.f32 v7, v17;
	v9 =	vsub.f32 v9, v30;
	v21 =	vmul.f32 v21, v11;
	v55 =	vld.idx.msk [tilespmem:v35+s4+$0x0], $0xffff  }
0x18d: {  	v28 =	vsub.f32 v28, v16;
	v11 =	vmul.f32 v24, v11;
	v54 =	vsub.f32 v29, v20;
	v57 =	vld.idx.msk [tilespmem:v36+s4+$0x0], $0xffff  }
0x18e: {  	v8 =	vsub.f32 v8, v26;
	v56 =	vadd.f32 v21, v19  }
0x18f: {  	v11 =	vadd.f32 v11, v15;
	v58 =	vmul.f32 v54, v10;
	v10 =	vmul.f32 v28, v10  }
0x190: {  	v59 =	vsub.f32 v31, v22;
	v60 =	vsub.f32 v51, v27  }
0x191: {  	v14 =	vadd.f32 v58, v20;
	v10 =	vadd.f32 v10, v16  }
0x192: {  	v61 =	vsub.f32 v55, v52;
	v62 =	vsub.f32 v57, v53  }
0x193: {  	v11 =	vsub.f32 v11, v56;
	v15 =	vmul.f32 v59, v12;
	v12 =	vmul.f32 v60, v12  }
0x194: {  	v10 =	vsub.f32 v10, v14;
	v16 =	vmul.f32 v61, v7;
	v7 =	vmul.f32 v62, v7  }
0x195: {  	v15 =	vadd.f32 v15, v22;
	v12 =	vadd.f32 v12, v27  }
0x196: {  	v16 =	vadd.f32 v16, v52;
	v7 =	vadd.f32 v7, v53  }
0x197: {  	v6 =	vsub.f32 v6, v18;
	v8 =	vmul.f32 v10, v8;
	v63 =	vsub.f32 v15, v12  }
0x198: {  	v9 =	vmul.f32 v11, v9;
	v7 =	vsub.f32 v7, v16  }
0x199: {  	s23 =	sadd.s32 $0x1, s23;
	v8 =	vadd.f32 v8, v14;
	v6 =	vmul.f32 v63, v6  }
0x19a: {  	p0 =	sne.s32 s23, $0x32;
	v9 =	vadd.f32 v9, v56;
	v7 =	vmul.f32 v7, v13  }
.Ltmp8:
0x19b: {  	s1 =	sadd.s32 $0x19E80, s28;
	[tilespmem:s28+$0x19E80] =	vst v8;
	v6 =	vadd.f32 v6, v12;
	(pc) =	sbr.rel @p0 .LBB2_8-.Ltmp8, $4  }
0x19c: {  	s3 =	sshll.u32 s24, $0x5;
	[tilespmem:s1+$0x10] =	vst v9;
	v7 =	vadd.f32 v7, v16  }
0x19d: {  	s3 =	sand.u32 $0x1FFFFE00, s3;
	[tilespmem:s1+$0x30] =	vst v6  }
0x19e: {  	s31 =	sadd.s32 s2, s3;
	[tilespmem:s1+$0x20] =	vst v7  }
0x19f: {  	[hbm4b:s31+s4] =	stream.linear.scatter [tilespmem:s19], [sflag:$0x4], $0x1000, $0x38;
	[tilespmem:$0x1AE80] =	vst v63  }
0x1a0: {  	s1 =	simm.s32 $0x3  }
0x1a1: {  	_ =	swait.ge [sflag:s1], $0x1000  }
0x1a2: {  	[sflag:s1] =	ssyncset.done $0x0  }
0x1a3: {  	[sflag:s1] =	ssyncadd.s32 $0xFFFFF000  }
0x1a4: {  	_ =	swait.ge [sflag:s18], $0x1000  }
0x1a5: {  	s3 =	rddreg [dreg:$0x6]  }
0x1a6: {  	s31 =	rddreg [dreg:$0x5];
	s3 =	sadd.s32 $0x1, s3  }
0x1a7: {  	p0 =	sne.s32 s3, s31  }
.Ltmp9:
0x1a8: {  	_ = 	snop;
	(pc) =	sbr.rel @p0 .LBB2_1-.Ltmp9, $3  }
0x1a9: {  	_ =	sdelay $0x1  }
0x1aa: {  	[sflag:s18] =	ssyncset.done $0x0  }
0x1ab: {  	[sflag:s18] =	ssyncadd.s32 $0xFFFFF000  }
0x1ac: {  	_ =	sfence.sel $0x180000  }
0x1ad: {  	[bflag:$0x0] =	sbarrier.arrive $0xFFFF  }
0x1ae: {  	_ =	strace $0x90000047  }
0x1af: {  	s0 =	stileid.u32;
	[bflag:$0x2] =	sbarrier.arrive $0xFFFF  }
0x1b0: {  	p0 =	sne.s32 s0, $0x0;
	s0 =	rddreg [dreg:$0x3]  }
0x1b1: {  	s0 =	sadd.s32 @!p0 $0x100000, s0  }
0x1b2: {  	[sflag:s0] =	ssyncadd.tile.s32 @!p0 $0x1;
	_ =	shalt  }
.Lfunc_end2:
_tile_overlayer_lowered:
.L_overlay_start_2:
0x1b3: {  	(tag) =	ssettag $0x2  }
0x1b4: {  	s0 =	rddreg [dreg:$0x0];
	s2 =	stileid.u32  }
0x1b5: {  	s1 =	rddreg [dreg:$0x1];
	p0 =	sne.s32 s2, $0x0  }
0x1b6: {  	s3 =	rddreg [dreg:$0x2];
	[bflag:$0x3] =	sbarrier.arrive $0xFFFF;
	s2 =	simm.s32 @!p0 $0x1C05  }
0x1b7: {  	[timem:s3], [sflag:s2] =	dma.local @!p0 [hbm:s0], s1  }
0x1b8: {  	s0 =	simm.s32 @!p0 $0x5  }
0x1b9: {  	_ =	swait.ge @!p0 [sflag:s0], s1  }
0x1ba: {  	s1 =	ssub.s32 @!p0 $0x0, s1;
	[sflag:s0] =	ssyncset.done @!p0 $0x0  }
0x1bb: {  	[sflag:s0] =	ssyncadd.s32 @!p0 s1  }
0x1bc: {  	[bflag:$0x3] =	sbarrier.arrive $0xFFFF  }
0x1bd: {  	_ =	shalt  }

</sc_bundles>
